<compile_context>
chip_gen: v7x
topology: tpu7x:2x2x1
jax: 0.10.2.dev20260603
libtpu: 0.0.44.dev20260713+nightly
codegen_flags: <defaults>
</compile_context>

<pallas_src>
import functools

import jax
import jax.numpy as jnp
from jax import lax
from jax.experimental import pallas as pl
from jax.experimental.pallas import tpu as pltpu
from jax.experimental.pallas import tpu_sc as plsc

B = 16384
D = 64
NC, NS = 2, 16
NW = NC * NS
BPW = B // NW
CHUNK = 128
NCHUNK = BPW // CHUNK
L = 16

_mesh = plsc.VectorSubcoreMesh(core_axis_name="c", subcore_axis_name="s")


@functools.partial(
    pl.kernel,
    out_type=jax.ShapeDtypeStruct((B,), jnp.float32),
    mesh=_mesh,
    compiler_params=pltpu.CompilerParams(
        needs_layout_passes=False, use_tc_tiling_on_sc=False),
    scratch_types=[
        pltpu.VMEM((BPW,), jnp.int32),
        pltpu.VMEM((BPW,), jnp.int32),
        pltpu.VMEM((BPW, D), jnp.float32),
        pltpu.VMEM((BPW, D), jnp.float32),
        pltpu.VMEM((BPW,), jnp.float32),
        pltpu.SemaphoreType.DMA,
    ],
)
def _mf_sc(user_hbm, items_hbm, utab_hbm, itab_hbm, out_hbm,
           uidx, iidx, urows, irows, outv, sem):
    wid = lax.axis_index("s") * NC + lax.axis_index("c")
    base = wid * BPW

    pltpu.sync_copy(user_hbm.at[pl.ds(base, BPW)], uidx)
    pltpu.sync_copy(items_hbm.at[pl.ds(base, BPW)], iidx)

    copies = []
    for j in range(NCHUNK):
        sl = pl.ds(j * CHUNK, CHUNK)
        copies.append(pltpu.async_copy(utab_hbm.at[uidx.at[sl]], urows.at[sl], sem))
        copies.append(pltpu.async_copy(itab_hbm.at[iidx.at[sl]], irows.at[sl], sem))
    for c in copies:
        c.wait()

    iota = lax.iota(jnp.int32, L)

    def body(g, carry):
        row = g * L + iota
        acc = jnp.zeros((L,), jnp.float32)
        for d in range(D):
            col = jnp.full((L,), d, jnp.int32)
            u = plsc.load_gather(urows, [row, col])
            v = plsc.load_gather(irows, [row, col])
            acc = acc + u * v
        outv[pl.ds(g * L, L)] = acc
        return carry

    lax.fori_loop(0, BPW // L, body, 0)
    pltpu.sync_copy(outv, out_hbm.at[pl.ds(base, BPW)])


def kernel(user, items, user_table, item_table):
    return _mf_sc(user.astype(jnp.int32), items.astype(jnp.int32),
                  user_table, item_table)

# --- scband reference (transcript-rebuilt; emitter-appended) ---
"""Pipeline reference for scband-mf-87016037417432 (READ-ONLY COPY).

The authoritative reference and input builder live on the scoring server;
editing this copy changes nothing except your own understanding.
"""

import jax, jax.numpy as jnp
import numpy as np

USERS = 1000000
ITEMS = 1000000
LATENT_DIM = 64
BATCH = 16384

def setup_inputs(seed: int = 0) -> dict:
    key = jax.random.key(seed)
    k1, k2, k3, k4 = jax.random.split(key, 4)
    user = jax.random.randint(k1, (BATCH,), 0, USERS, dtype=jnp.int64 if jax.config.jax_enable_x64 else jnp.int32)
    items = jax.random.randint(k2, (BATCH,), 0, ITEMS, dtype=jnp.int64 if jax.config.jax_enable_x64 else jnp.int32)
    user_table = jax.random.normal(k3, (USERS, LATENT_DIM), dtype=jnp.float32)
    item_table = jax.random.normal(k4, (ITEMS, LATENT_DIM), dtype=jnp.float32)
    return {"user": user, "items": items, "user_table": user_table, "item_table": item_table}

def reference(user, items, user_table, item_table):
    user_emb = jnp.take(user_table, user, axis=0)
    item_emb = jnp.take(item_table, items, axis=0)
    return (user_emb * item_emb).sum(axis=1)

if __name__ == "__main__":
    import jax
    _d = setup_inputs()
    print(jax.jit(kernel)(*tuple(_d.values())))

</pallas_src>

<mosaic_0001>
#map = affine_map<(d0, d1) -> (0)>
#map1 = affine_map<(d0, d1) -> (0, 0)>
module attributes {stable_mosaic.version = 14 : i64} {
  func.func @_mf_sc(%arg0: i32, %arg1: i32, %arg2: memref<16384xi32, #tpu.memory_space<hbm>>, %arg3: memref<16384xi32, #tpu.memory_space<hbm>>, %arg4: memref<1000000x64xf32, #tpu.memory_space<hbm>>, %arg5: memref<1000000x64xf32, #tpu.memory_space<hbm>>, %arg6: memref<16384xf32, #tpu.memory_space<hbm>>, %arg7: memref<512xi32, #tpu.memory_space<vmem>>, %arg8: memref<512xi32, #tpu.memory_space<vmem>>, %arg9: memref<512x64xf32, #tpu.memory_space<vmem>>, %arg10: memref<512x64xf32, #tpu.memory_space<vmem>>, %arg11: memref<512xf32, #tpu.memory_space<vmem>>, %arg12: memref<!tpu.dma_semaphore, #tpu.memory_space<semaphore_mem>>) attributes {dimension_semantics = [#tpu.dimension_semantics<core_parallel>, #tpu.dimension_semantics<subcore_parallel>], iteration_bounds = array<i64: 2, 16>, scalar_prefetch = 0 : i64, scratch_operands = 6 : i64, tpu.core_type = #tpu.core_type<sc_vector_subcore>, window_params = [{transform_indices = #map}, {transform_indices = #map}, {transform_indices = #map1}, {transform_indices = #map1}, {transform_indices = #map}]} {
    %mul3A = arith.constant 2 : i32
    %mul3A_0 = arith.muli %arg1, %mul3A : i32
    %add3A = arith.addi %mul3A_0, %arg0 : i32
    %mul3A_1 = arith.constant 512 : i32
    %mul3A_2 = arith.muli %add3A, %mul3A_1 : i32
    "tpu.region"() ({
      %run_scoped3A = tpu.sem_alloc : memref<!tpu.dma_semaphore, #tpu.memory_space<semaphore_mem>>
      %dma_start3A_134 = tpu.memref_slice %arg2[%mul3A_2] : memref<16384xi32, #tpu.memory_space<hbm>> -> memref<512xi32, #tpu.memory_space<hbm>>
      %dma_start3A_135 = tpu.memref_slice %arg2[%mul3A_2] : memref<16384xi32, #tpu.memory_space<hbm>> -> memref<512xi32, #tpu.memory_space<hbm>>
      tpu.enqueue_dma source(%dma_start3A_135 : memref<512xi32, #tpu.memory_space<hbm>>) target(%arg7 : memref<512xi32, #tpu.memory_space<vmem>>) target_semaphore(%run_scoped3A : memref<!tpu.dma_semaphore, #tpu.memory_space<semaphore_mem>>)
      %dma_wait3A_136 = tpu.memref_slice %arg2[%mul3A_2] : memref<16384xi32, #tpu.memory_space<hbm>> -> memref<512xi32, #tpu.memory_space<hbm>>
      %dma_wait3A_137 = tpu.memref_slice %arg2[%mul3A_2] : memref<16384xi32, #tpu.memory_space<hbm>> -> memref<512xi32, #tpu.memory_space<hbm>>
      tpu.wait_dma2 semaphore(%run_scoped3A : memref<!tpu.dma_semaphore, #tpu.memory_space<semaphore_mem>>) src(%dma_wait3A_137 : memref<512xi32, #tpu.memory_space<hbm>>) dst(%arg7 : memref<512xi32, #tpu.memory_space<vmem>>)
      tpu.yield
    }) : () -> ()
    "tpu.region"() ({
      %run_scoped3A = tpu.sem_alloc : memref<!tpu.dma_semaphore, #tpu.memory_space<semaphore_mem>>
      %dma_start3A_134 = tpu.memref_slice %arg3[%mul3A_2] : memref<16384xi32, #tpu.memory_space<hbm>> -> memref<512xi32, #tpu.memory_space<hbm>>
      %dma_start3A_135 = tpu.memref_slice %arg3[%mul3A_2] : memref<16384xi32, #tpu.memory_space<hbm>> -> memref<512xi32, #tpu.memory_space<hbm>>
      tpu.enqueue_dma source(%dma_start3A_135 : memref<512xi32, #tpu.memory_space<hbm>>) target(%arg8 : memref<512xi32, #tpu.memory_space<vmem>>) target_semaphore(%run_scoped3A : memref<!tpu.dma_semaphore, #tpu.memory_space<semaphore_mem>>)
      %dma_wait3A_136 = tpu.memref_slice %arg3[%mul3A_2] : memref<16384xi32, #tpu.memory_space<hbm>> -> memref<512xi32, #tpu.memory_space<hbm>>
      %dma_wait3A_137 = tpu.memref_slice %arg3[%mul3A_2] : memref<16384xi32, #tpu.memory_space<hbm>> -> memref<512xi32, #tpu.memory_space<hbm>>
      tpu.wait_dma2 semaphore(%run_scoped3A : memref<!tpu.dma_semaphore, #tpu.memory_space<semaphore_mem>>) src(%dma_wait3A_137 : memref<512xi32, #tpu.memory_space<hbm>>) dst(%arg8 : memref<512xi32, #tpu.memory_space<vmem>>)
      tpu.yield
    }) : () -> ()
    %dma_start3A = arith.constant 0 : i32
    %dma_start3A_3 = arith.constant 0 : i32
    %dma_start3A_4 = tpu.memref_slice %arg9[%dma_start3A, %dma_start3A_3] : memref<512x64xf32, #tpu.memory_space<vmem>> -> memref<128x64xf32, #tpu.memory_space<vmem>>
    %dma_start3A_5 = arith.constant 0 : i32
    %dma_start3A_6 = tpu.memref_slice %arg7[%dma_start3A_5] : memref<512xi32, #tpu.memory_space<vmem>> -> memref<128xi32, #tpu.memory_space<vmem>>
    %dma_start3A_7 = arith.constant 0 : i32
    %dma_start3A_8 = arith.constant 0 : i32
    %dma_start3A_9 = tpu.memref_slice %arg4[%dma_start3A_7, %dma_start3A_8] : memref<1000000x64xf32, #tpu.memory_space<hbm>> -> memref<1000000x64xf32, #tpu.memory_space<hbm>>
    tpu.enqueue_indirect_dma source(%dma_start3A_9 : memref<1000000x64xf32, #tpu.memory_space<hbm>>) target(%dma_start3A_4 : memref<128x64xf32, #tpu.memory_space<vmem>>) offsets(%dma_start3A_6 : memref<128xi32, #tpu.memory_space<vmem>>) semaphore(%arg12 : memref<!tpu.dma_semaphore, #tpu.memory_space<semaphore_mem>>)
    %dma_start3A_10 = arith.constant 0 : i32
    %dma_start3A_11 = arith.constant 0 : i32
    %dma_start3A_12 = tpu.memref_slice %arg10[%dma_start3A_10, %dma_start3A_11] : memref<512x64xf32, #tpu.memory_space<vmem>> -> memref<128x64xf32, #tpu.memory_space<vmem>>
    %dma_start3A_13 = arith.constant 0 : i32
    %dma_start3A_14 = tpu.memref_slice %arg8[%dma_start3A_13] : memref<512xi32, #tpu.memory_space<vmem>> -> memref<128xi32, #tpu.memory_space<vmem>>
    %dma_start3A_15 = arith.constant 0 : i32
    %dma_start3A_16 = arith.constant 0 : i32
    %dma_start3A_17 = tpu.memref_slice %arg5[%dma_start3A_15, %dma_start3A_16] : memref<1000000x64xf32, #tpu.memory_space<hbm>> -> memref<1000000x64xf32, #tpu.memory_space<hbm>>
    tpu.enqueue_indirect_dma source(%dma_start3A_17 : memref<1000000x64xf32, #tpu.memory_space<hbm>>) target(%dma_start3A_12 : memref<128x64xf32, #tpu.memory_space<vmem>>) offsets(%dma_start3A_14 : memref<128xi32, #tpu.memory_space<vmem>>) semaphore(%arg12 : memref<!tpu.dma_semaphore, #tpu.memory_space<semaphore_mem>>)
    %dma_start3A_18 = arith.constant 128 : i32
    %dma_start3A_19 = arith.constant 0 : i32
    %dma_start3A_20 = tpu.memref_slice %arg9[%dma_start3A_18, %dma_start3A_19] : memref<512x64xf32, #tpu.memory_space<vmem>> -> memref<128x64xf32, #tpu.memory_space<vmem>>
    %dma_start3A_21 = arith.constant 128 : i32
    %dma_start3A_22 = tpu.memref_slice %arg7[%dma_start3A_21] : memref<512xi32, #tpu.memory_space<vmem>> -> memref<128xi32, #tpu.memory_space<vmem>>
    %dma_start3A_23 = arith.constant 0 : i32
    %dma_start3A_24 = arith.constant 0 : i32
    %dma_start3A_25 = tpu.memref_slice %arg4[%dma_start3A_23, %dma_start3A_24] : memref<1000000x64xf32, #tpu.memory_space<hbm>> -> memref<1000000x64xf32, #tpu.memory_space<hbm>>
    tpu.enqueue_indirect_dma source(%dma_start3A_25 : memref<1000000x64xf32, #tpu.memory_space<hbm>>) target(%dma_start3A_20 : memref<128x64xf32, #tpu.memory_space<vmem>>) offsets(%dma_start3A_22 : memref<128xi32, #tpu.memory_space<vmem>>) semaphore(%arg12 : memref<!tpu.dma_semaphore, #tpu.memory_space<semaphore_mem>>)
    %dma_start3A_26 = arith.constant 128 : i32
    %dma_start3A_27 = arith.constant 0 : i32
    %dma_start3A_28 = tpu.memref_slice %arg10[%dma_start3A_26, %dma_start3A_27] : memref<512x64xf32, #tpu.memory_space<vmem>> -> memref<128x64xf32, #tpu.memory_space<vmem>>
    %dma_start3A_29 = arith.constant 128 : i32
    %dma_start3A_30 = tpu.memref_slice %arg8[%dma_start3A_29] : memref<512xi32, #tpu.memory_space<vmem>> -> memref<128xi32, #tpu.memory_space<vmem>>
    %dma_start3A_31 = arith.constant 0 : i32
    %dma_start3A_32 = arith.constant 0 : i32
    %dma_start3A_33 = tpu.memref_slice %arg5[%dma_start3A_31, %dma_start3A_32] : memref<1000000x64xf32, #tpu.memory_space<hbm>> -> memref<1000000x64xf32, #tpu.memory_space<hbm>>
    tpu.enqueue_indirect_dma source(%dma_start3A_33 : memref<1000000x64xf32, #tpu.memory_space<hbm>>) target(%dma_start3A_28 : memref<128x64xf32, #tpu.memory_space<vmem>>) offsets(%dma_start3A_30 : memref<128xi32, #tpu.memory_space<vmem>>) semaphore(%arg12 : memref<!tpu.dma_semaphore, #tpu.memory_space<semaphore_mem>>)
    %dma_start3A_34 = arith.constant 256 : i32
    %dma_start3A_35 = arith.constant 0 : i32
    %dma_start3A_36 = tpu.memref_slice %arg9[%dma_start3A_34, %dma_start3A_35] : memref<512x64xf32, #tpu.memory_space<vmem>> -> memref<128x64xf32, #tpu.memory_space<vmem>>
    %dma_start3A_37 = arith.constant 256 : i32
    %dma_start3A_38 = tpu.memref_slice %arg7[%dma_start3A_37] : memref<512xi32, #tpu.memory_space<vmem>> -> memref<128xi32, #tpu.memory_space<vmem>>
    %dma_start3A_39 = arith.constant 0 : i32
    %dma_start3A_40 = arith.constant 0 : i32
    %dma_start3A_41 = tpu.memref_slice %arg4[%dma_start3A_39, %dma_start3A_40] : memref<1000000x64xf32, #tpu.memory_space<hbm>> -> memref<1000000x64xf32, #tpu.memory_space<hbm>>
    tpu.enqueue_indirect_dma source(%dma_start3A_41 : memref<1000000x64xf32, #tpu.memory_space<hbm>>) target(%dma_start3A_36 : memref<128x64xf32, #tpu.memory_space<vmem>>) offsets(%dma_start3A_38 : memref<128xi32, #tpu.memory_space<vmem>>) semaphore(%arg12 : memref<!tpu.dma_semaphore, #tpu.memory_space<semaphore_mem>>)
    %dma_start3A_42 = arith.constant 256 : i32
    %dma_start3A_43 = arith.constant 0 : i32
    %dma_start3A_44 = tpu.memref_slice %arg10[%dma_start3A_42, %dma_start3A_43] : memref<512x64xf32, #tpu.memory_space<vmem>> -> memref<128x64xf32, #tpu.memory_space<vmem>>
    %dma_start3A_45 = arith.constant 256 : i32
    %dma_start3A_46 = tpu.memref_slice %arg8[%dma_start3A_45] : memref<512xi32, #tpu.memory_space<vmem>> -> memref<128xi32, #tpu.memory_space<vmem>>
    %dma_start3A_47 = arith.constant 0 : i32
    %dma_start3A_48 = arith.constant 0 : i32
    %dma_start3A_49 = tpu.memref_slice %arg5[%dma_start3A_47, %dma_start3A_48] : memref<1000000x64xf32, #tpu.memory_space<hbm>> -> memref<1000000x64xf32, #tpu.memory_space<hbm>>
    tpu.enqueue_indirect_dma source(%dma_start3A_49 : memref<1000000x64xf32, #tpu.memory_space<hbm>>) target(%dma_start3A_44 : memref<128x64xf32, #tpu.memory_space<vmem>>) offsets(%dma_start3A_46 : memref<128xi32, #tpu.memory_space<vmem>>) semaphore(%arg12 : memref<!tpu.dma_semaphore, #tpu.memory_space<semaphore_mem>>)
    %dma_start3A_50 = arith.constant 384 : i32
    %dma_start3A_51 = arith.constant 0 : i32
    %dma_start3A_52 = tpu.memref_slice %arg9[%dma_start3A_50, %dma_start3A_51] : memref<512x64xf32, #tpu.memory_space<vmem>> -> memref<128x64xf32, #tpu.memory_space<vmem>>
    %dma_start3A_53 = arith.constant 384 : i32
    %dma_start3A_54 = tpu.memref_slice %arg7[%dma_start3A_53] : memref<512xi32, #tpu.memory_space<vmem>> -> memref<128xi32, #tpu.memory_space<vmem>>
    %dma_start3A_55 = arith.constant 0 : i32
    %dma_start3A_56 = arith.constant 0 : i32
    %dma_start3A_57 = tpu.memref_slice %arg4[%dma_start3A_55, %dma_start3A_56] : memref<1000000x64xf32, #tpu.memory_space<hbm>> -> memref<1000000x64xf32, #tpu.memory_space<hbm>>
    tpu.enqueue_indirect_dma source(%dma_start3A_57 : memref<1000000x64xf32, #tpu.memory_space<hbm>>) target(%dma_start3A_52 : memref<128x64xf32, #tpu.memory_space<vmem>>) offsets(%dma_start3A_54 : memref<128xi32, #tpu.memory_space<vmem>>) semaphore(%arg12 : memref<!tpu.dma_semaphore, #tpu.memory_space<semaphore_mem>>)
    %dma_start3A_58 = arith.constant 384 : i32
    %dma_start3A_59 = arith.constant 0 : i32
    %dma_start3A_60 = tpu.memref_slice %arg10[%dma_start3A_58, %dma_start3A_59] : memref<512x64xf32, #tpu.memory_space<vmem>> -> memref<128x64xf32, #tpu.memory_space<vmem>>
    %dma_start3A_61 = arith.constant 384 : i32
    %dma_start3A_62 = tpu.memref_slice %arg8[%dma_start3A_61] : memref<512xi32, #tpu.memory_space<vmem>> -> memref<128xi32, #tpu.memory_space<vmem>>
    %dma_start3A_63 = arith.constant 0 : i32
    %dma_start3A_64 = arith.constant 0 : i32
    %dma_start3A_65 = tpu.memref_slice %arg5[%dma_start3A_63, %dma_start3A_64] : memref<1000000x64xf32, #tpu.memory_space<hbm>> -> memref<1000000x64xf32, #tpu.memory_space<hbm>>
    tpu.enqueue_indirect_dma source(%dma_start3A_65 : memref<1000000x64xf32, #tpu.memory_space<hbm>>) target(%dma_start3A_60 : memref<128x64xf32, #tpu.memory_space<vmem>>) offsets(%dma_start3A_62 : memref<128xi32, #tpu.memory_space<vmem>>) semaphore(%arg12 : memref<!tpu.dma_semaphore, #tpu.memory_space<semaphore_mem>>)
    %dma_wait3A = arith.constant 0 : i32
    %dma_wait3A_66 = arith.constant 0 : i32
    %dma_wait3A_67 = tpu.memref_slice %arg9[%dma_wait3A, %dma_wait3A_66] : memref<512x64xf32, #tpu.memory_space<vmem>> -> memref<128x64xf32, #tpu.memory_space<vmem>>
    %dma_wait3A_68 = arith.constant 0 : i32
    %dma_wait3A_69 = tpu.memref_slice %arg7[%dma_wait3A_68] : memref<512xi32, #tpu.memory_space<vmem>> -> memref<128xi32, #tpu.memory_space<vmem>>
    %dma_wait3A_70 = arith.constant 0 : i32
    %dma_wait3A_71 = arith.constant 0 : i32
    %dma_wait3A_72 = tpu.memref_slice %arg4[%dma_wait3A_70, %dma_wait3A_71] : memref<1000000x64xf32, #tpu.memory_space<hbm>> -> memref<1000000x64xf32, #tpu.memory_space<hbm>>
    tpu.wait_indirect_dma semaphore(%arg12 : memref<!tpu.dma_semaphore, #tpu.memory_space<semaphore_mem>>) src(%dma_wait3A_72 : memref<1000000x64xf32, #tpu.memory_space<hbm>>) dst(%dma_wait3A_67 : memref<128x64xf32, #tpu.memory_space<vmem>>)
    %dma_wait3A_73 = arith.constant 0 : i32
    %dma_wait3A_74 = arith.constant 0 : i32
    %dma_wait3A_75 = tpu.memref_slice %arg10[%dma_wait3A_73, %dma_wait3A_74] : memref<512x64xf32, #tpu.memory_space<vmem>> -> memref<128x64xf32, #tpu.memory_space<vmem>>
    %dma_wait3A_76 = arith.constant 0 : i32
    %dma_wait3A_77 = tpu.memref_slice %arg8[%dma_wait3A_76] : memref<512xi32, #tpu.memory_space<vmem>> -> memref<128xi32, #tpu.memory_space<vmem>>
    %dma_wait3A_78 = arith.constant 0 : i32
    %dma_wait3A_79 = arith.constant 0 : i32
    %dma_wait3A_80 = tpu.memref_slice %arg5[%dma_wait3A_78, %dma_wait3A_79] : memref<1000000x64xf32, #tpu.memory_space<hbm>> -> memref<1000000x64xf32, #tpu.memory_space<hbm>>
    tpu.wait_indirect_dma semaphore(%arg12 : memref<!tpu.dma_semaphore, #tpu.memory_space<semaphore_mem>>) src(%dma_wait3A_80 : memref<1000000x64xf32, #tpu.memory_space<hbm>>) dst(%dma_wait3A_75 : memref<128x64xf32, #tpu.memory_space<vmem>>)
    %dma_wait3A_81 = arith.constant 128 : i32
    %dma_wait3A_82 = arith.constant 0 : i32
    %dma_wait3A_83 = tpu.memref_slice %arg9[%dma_wait3A_81, %dma_wait3A_82] : memref<512x64xf32, #tpu.memory_space<vmem>> -> memref<128x64xf32, #tpu.memory_space<vmem>>
    %dma_wait3A_84 = arith.constant 128 : i32
    %dma_wait3A_85 = tpu.memref_slice %arg7[%dma_wait3A_84] : memref<512xi32, #tpu.memory_space<vmem>> -> memref<128xi32, #tpu.memory_space<vmem>>
    %dma_wait3A_86 = arith.constant 0 : i32
    %dma_wait3A_87 = arith.constant 0 : i32
    %dma_wait3A_88 = tpu.memref_slice %arg4[%dma_wait3A_86, %dma_wait3A_87] : memref<1000000x64xf32, #tpu.memory_space<hbm>> -> memref<1000000x64xf32, #tpu.memory_space<hbm>>
    tpu.wait_indirect_dma semaphore(%arg12 : memref<!tpu.dma_semaphore, #tpu.memory_space<semaphore_mem>>) src(%dma_wait3A_88 : memref<1000000x64xf32, #tpu.memory_space<hbm>>) dst(%dma_wait3A_83 : memref<128x64xf32, #tpu.memory_space<vmem>>)
    %dma_wait3A_89 = arith.constant 128 : i32
    %dma_wait3A_90 = arith.constant 0 : i32
    %dma_wait3A_91 = tpu.memref_slice %arg10[%dma_wait3A_89, %dma_wait3A_90] : memref<512x64xf32, #tpu.memory_space<vmem>> -> memref<128x64xf32, #tpu.memory_space<vmem>>
    %dma_wait3A_92 = arith.constant 128 : i32
    %dma_wait3A_93 = tpu.memref_slice %arg8[%dma_wait3A_92] : memref<512xi32, #tpu.memory_space<vmem>> -> memref<128xi32, #tpu.memory_space<vmem>>
    %dma_wait3A_94 = arith.constant 0 : i32
    %dma_wait3A_95 = arith.constant 0 : i32
    %dma_wait3A_96 = tpu.memref_slice %arg5[%dma_wait3A_94, %dma_wait3A_95] : memref<1000000x64xf32, #tpu.memory_space<hbm>> -> memref<1000000x64xf32, #tpu.memory_space<hbm>>
    tpu.wait_indirect_dma semaphore(%arg12 : memref<!tpu.dma_semaphore, #tpu.memory_space<semaphore_mem>>) src(%dma_wait3A_96 : memref<1000000x64xf32, #tpu.memory_space<hbm>>) dst(%dma_wait3A_91 : memref<128x64xf32, #tpu.memory_space<vmem>>)
    %dma_wait3A_97 = arith.constant 256 : i32
    %dma_wait3A_98 = arith.constant 0 : i32
    %dma_wait3A_99 = tpu.memref_slice %arg9[%dma_wait3A_97, %dma_wait3A_98] : memref<512x64xf32, #tpu.memory_space<vmem>> -> memref<128x64xf32, #tpu.memory_space<vmem>>
    %dma_wait3A_100 = arith.constant 256 : i32
    %dma_wait3A_101 = tpu.memref_slice %arg7[%dma_wait3A_100] : memref<512xi32, #tpu.memory_space<vmem>> -> memref<128xi32, #tpu.memory_space<vmem>>
    %dma_wait3A_102 = arith.constant 0 : i32
    %dma_wait3A_103 = arith.constant 0 : i32
    %dma_wait3A_104 = tpu.memref_slice %arg4[%dma_wait3A_102, %dma_wait3A_103] : memref<1000000x64xf32, #tpu.memory_space<hbm>> -> memref<1000000x64xf32, #tpu.memory_space<hbm>>
    tpu.wait_indirect_dma semaphore(%arg12 : memref<!tpu.dma_semaphore, #tpu.memory_space<semaphore_mem>>) src(%dma_wait3A_104 : memref<1000000x64xf32, #tpu.memory_space<hbm>>) dst(%dma_wait3A_99 : memref<128x64xf32, #tpu.memory_space<vmem>>)
    %dma_wait3A_105 = arith.constant 256 : i32
    %dma_wait3A_106 = arith.constant 0 : i32
    %dma_wait3A_107 = tpu.memref_slice %arg10[%dma_wait3A_105, %dma_wait3A_106] : memref<512x64xf32, #tpu.memory_space<vmem>> -> memref<128x64xf32, #tpu.memory_space<vmem>>
    %dma_wait3A_108 = arith.constant 256 : i32
    %dma_wait3A_109 = tpu.memref_slice %arg8[%dma_wait3A_108] : memref<512xi32, #tpu.memory_space<vmem>> -> memref<128xi32, #tpu.memory_space<vmem>>
    %dma_wait3A_110 = arith.constant 0 : i32
    %dma_wait3A_111 = arith.constant 0 : i32
    %dma_wait3A_112 = tpu.memref_slice %arg5[%dma_wait3A_110, %dma_wait3A_111] : memref<1000000x64xf32, #tpu.memory_space<hbm>> -> memref<1000000x64xf32, #tpu.memory_space<hbm>>
    tpu.wait_indirect_dma semaphore(%arg12 : memref<!tpu.dma_semaphore, #tpu.memory_space<semaphore_mem>>) src(%dma_wait3A_112 : memref<1000000x64xf32, #tpu.memory_space<hbm>>) dst(%dma_wait3A_107 : memref<128x64xf32, #tpu.memory_space<vmem>>)
    %dma_wait3A_113 = arith.constant 384 : i32
    %dma_wait3A_114 = arith.constant 0 : i32
    %dma_wait3A_115 = tpu.memref_slice %arg9[%dma_wait3A_113, %dma_wait3A_114] : memref<512x64xf32, #tpu.memory_space<vmem>> -> memref<128x64xf32, #tpu.memory_space<vmem>>
    %dma_wait3A_116 = arith.constant 384 : i32
    %dma_wait3A_117 = tpu.memref_slice %arg7[%dma_wait3A_116] : memref<512xi32, #tpu.memory_space<vmem>> -> memref<128xi32, #tpu.memory_space<vmem>>
    %dma_wait3A_118 = arith.constant 0 : i32
    %dma_wait3A_119 = arith.constant 0 : i32
    %dma_wait3A_120 = tpu.memref_slice %arg4[%dma_wait3A_118, %dma_wait3A_119] : memref<1000000x64xf32, #tpu.memory_space<hbm>> -> memref<1000000x64xf32, #tpu.memory_space<hbm>>
    tpu.wait_indirect_dma semaphore(%arg12 : memref<!tpu.dma_semaphore, #tpu.memory_space<semaphore_mem>>) src(%dma_wait3A_120 : memref<1000000x64xf32, #tpu.memory_space<hbm>>) dst(%dma_wait3A_115 : memref<128x64xf32, #tpu.memory_space<vmem>>)
    %dma_wait3A_121 = arith.constant 384 : i32
    %dma_wait3A_122 = arith.constant 0 : i32
    %dma_wait3A_123 = tpu.memref_slice %arg10[%dma_wait3A_121, %dma_wait3A_122] : memref<512x64xf32, #tpu.memory_space<vmem>> -> memref<128x64xf32, #tpu.memory_space<vmem>>
    %dma_wait3A_124 = arith.constant 384 : i32
    %dma_wait3A_125 = tpu.memref_slice %arg8[%dma_wait3A_124] : memref<512xi32, #tpu.memory_space<vmem>> -> memref<128xi32, #tpu.memory_space<vmem>>
    %dma_wait3A_126 = arith.constant 0 : i32
    %dma_wait3A_127 = arith.constant 0 : i32
    %dma_wait3A_128 = tpu.memref_slice %arg5[%dma_wait3A_126, %dma_wait3A_127] : memref<1000000x64xf32, #tpu.memory_space<hbm>> -> memref<1000000x64xf32, #tpu.memory_space<hbm>>
    tpu.wait_indirect_dma semaphore(%arg12 : memref<!tpu.dma_semaphore, #tpu.memory_space<semaphore_mem>>) src(%dma_wait3A_128 : memref<1000000x64xf32, #tpu.memory_space<hbm>>) dst(%dma_wait3A_123 : memref<128x64xf32, #tpu.memory_space<vmem>>)
    %iota3A = tpu.iota {dimensions = array<i32: 0>} : vector<16xi32>
    %scan3A = arith.constant 0 : i32
    %scan3A_129 = arith.constant 0 : i32
    %scan3A_130 = arith.constant 32 : i32
    %scan3A_131 = arith.addi %scan3A_129, %scan3A_130 : i32
    %scan3A_132 = arith.constant 1 : i32
    scf.for %scan3A_134 = %scan3A_129 to %scan3A_131 step %scan3A_132  : i32 {
      %mul3A_135 = arith.constant 16 : i32
      %mul3A_136 = arith.muli %scan3A_134, %mul3A_135 : i32
      %add3A_137 = vector.broadcast %mul3A_136 : i32 to vector<16xi32>
      %add3A_138 = arith.addi %add3A_137, %iota3A : vector<16xi32>
      %broadcast_in_dim3A = arith.constant 0.000000e+00 : f32
      %broadcast_in_dim3A_139 = vector.broadcast %broadcast_in_dim3A : f32 to vector<16xf32>
      %broadcast_in_dim3A_140 = arith.constant 0 : i32
      %broadcast_in_dim3A_141 = vector.broadcast %broadcast_in_dim3A_140 : i32 to vector<16xi32>
      %gather3A = tpu.vector_load_idx %arg9[%add3A_138, %broadcast_in_dim3A_141] : memref<512x64xf32, #tpu.memory_space<vmem>>[vector<16xi32>, vector<16xi32>], vector<16xf32>,
      %gather3A_142 = tpu.vector_load_idx %arg10[%add3A_138, %broadcast_in_dim3A_141] : memref<512x64xf32, #tpu.memory_space<vmem>>[vector<16xi32>, vector<16xi32>], vector<16xf32>,
      %mul3A_143 = arith.mulf %gather3A, %gather3A_142 : vector<16xf32>
      %add3A_144 = arith.addf %broadcast_in_dim3A_139, %mul3A_143 : vector<16xf32>
      %broadcast_in_dim3A_145 = arith.constant 1 : i32
      %broadcast_in_dim3A_146 = vector.broadcast %broadcast_in_dim3A_145 : i32 to vector<16xi32>
      %gather3A_147 = tpu.vector_load_idx %arg9[%add3A_138, %broadcast_in_dim3A_146] : memref<512x64xf32, #tpu.memory_space<vmem>>[vector<16xi32>, vector<16xi32>], vector<16xf32>,
      %gather3A_148 = tpu.vector_load_idx %arg10[%add3A_138, %broadcast_in_dim3A_146] : memref<512x64xf32, #tpu.memory_space<vmem>>[vector<16xi32>, vector<16xi32>], vector<16xf32>,
      %mul3A_149 = arith.mulf %gather3A_147, %gather3A_148 : vector<16xf32>
      %add3A_150 = arith.addf %add3A_144, %mul3A_149 : vector<16xf32>
      %broadcast_in_dim3A_151 = arith.constant 2 : i32
      %broadcast_in_dim3A_152 = vector.broadcast %broadcast_in_dim3A_151 : i32 to vector<16xi32>
      %gather3A_153 = tpu.vector_load_idx %arg9[%add3A_138, %broadcast_in_dim3A_152] : memref<512x64xf32, #tpu.memory_space<vmem>>[vector<16xi32>, vector<16xi32>], vector<16xf32>,
      %gather3A_154 = tpu.vector_load_idx %arg10[%add3A_138, %broadcast_in_dim3A_152] : memref<512x64xf32, #tpu.memory_space<vmem>>[vector<16xi32>, vector<16xi32>], vector<16xf32>,
      %mul3A_155 = arith.mulf %gather3A_153, %gather3A_154 : vector<16xf32>
      %add3A_156 = arith.addf %add3A_150, %mul3A_155 : vector<16xf32>
      %broadcast_in_dim3A_157 = arith.constant 3 : i32
      %broadcast_in_dim3A_158 = vector.broadcast %broadcast_in_dim3A_157 : i32 to vector<16xi32>
      %gather3A_159 = tpu.vector_load_idx %arg9[%add3A_138, %broadcast_in_dim3A_158] : memref<512x64xf32, #tpu.memory_space<vmem>>[vector<16xi32>, vector<16xi32>], vector<16xf32>,
      %gather3A_160 = tpu.vector_load_idx %arg10[%add3A_138, %broadcast_in_dim3A_158] : memref<512x64xf32, #tpu.memory_space<vmem>>[vector<16xi32>, vector<16xi32>], vector<16xf32>,
      %mul3A_161 = arith.mulf %gather3A_159, %gather3A_160 : vector<16xf32>
      %add3A_162 = arith.addf %add3A_156, %mul3A_161 : vector<16xf32>
      %broadcast_in_dim3A_163 = arith.constant 4 : i32
      %broadcast_in_dim3A_164 = vector.broadcast %broadcast_in_dim3A_163 : i32 to vector<16xi32>
      %gather3A_165 = tpu.vector_load_idx %arg9[%add3A_138, %broadcast_in_dim3A_164] : memref<512x64xf32, #tpu.memory_space<vmem>>[vector<16xi32>, vector<16xi32>], vector<16xf32>,
      %gather3A_166 = tpu.vector_load_idx %arg10[%add3A_138, %broadcast_in_dim3A_164] : memref<512x64xf32, #tpu.memory_space<vmem>>[vector<16xi32>, vector<16xi32>], vector<16xf32>,
      %mul3A_167 = arith.mulf %gather3A_165, %gather3A_166 : vector<16xf32>
      %add3A_168 = arith.addf %add3A_162, %mul3A_167 : vector<16xf32>
      %broadcast_in_dim3A_169 = arith.constant 5 : i32
      %broadcast_in_dim3A_170 = vector.broadcast %broadcast_in_dim3A_169 : i32 to vector<16xi32>
      %gather3A_171 = tpu.vector_load_idx %arg9[%add3A_138, %broadcast_in_dim3A_170] : memref<512x64xf32, #tpu.memory_space<vmem>>[vector<16xi32>, vector<16xi32>], vector<16xf32>,
      %gather3A_172 = tpu.vector_load_idx %arg10[%add3A_138, %broadcast_in_dim3A_170] : memref<512x64xf32, #tpu.memory_space<vmem>>[vector<16xi32>, vector<16xi32>], vector<16xf32>,
      %mul3A_173 = arith.mulf %gather3A_171, %gather3A_172 : vector<16xf32>
      %add3A_174 = arith.addf %add3A_168, %mul3A_173 : vector<16xf32>
      %broadcast_in_dim3A_175 = arith.constant 6 : i32
      %broadcast_in_dim3A_176 = vector.broadcast %broadcast_in_dim3A_175 : i32 to vector<16xi32>
      %gather3A_177 = tpu.vector_load_idx %arg9[%add3A_138, %broadcast_in_dim3A_176] : memref<512x64xf32, #tpu.memory_space<vmem>>[vector<16xi32>, vector<16xi32>], vector<16xf32>,
      %gather3A_178 = tpu.vector_load_idx %arg10[%add3A_138, %broadcast_in_dim3A_176] : memref<512x64xf32, #tpu.memory_space<vmem>>[vector<16xi32>, vector<16xi32>], vector<16xf32>,
      %mul3A_179 = arith.mulf %gather3A_177, %gather3A_178 : vector<16xf32>
      %add3A_180 = arith.addf %add3A_174, %mul3A_179 : vector<16xf32>
      %broadcast_in_dim3A_181 = arith.constant 7 : i32
      %broadcast_in_dim3A_182 = vector.broadcast %broadcast_in_dim3A_181 : i32 to vector<16xi32>
      %gather3A_183 = tpu.vector_load_idx %arg9[%add3A_138, %broadcast_in_dim3A_182] : memref<512x64xf32, #tpu.memory_space<vmem>>[vector<16xi32>, vector<16xi32>], vector<16xf32>,
      %gather3A_184 = tpu.vector_load_idx %arg10[%add3A_138, %broadcast_in_dim3A_182] : memref<512x64xf32, #tpu.memory_space<vmem>>[vector<16xi32>, vector<16xi32>], vector<16xf32>,
      %mul3A_185 = arith.mulf %gather3A_183, %gather3A_184 : vector<16xf32>
      %add3A_186 = arith.addf %add3A_180, %mul3A_185 : vector<16xf32>
      %broadcast_in_dim3A_187 = arith.constant 8 : i32
      %broadcast_in_dim3A_188 = vector.broadcast %broadcast_in_dim3A_187 : i32 to vector<16xi32>
      %gather3A_189 = tpu.vector_load_idx %arg9[%add3A_138, %broadcast_in_dim3A_188] : memref<512x64xf32, #tpu.memory_space<vmem>>[vector<16xi32>, vector<16xi32>], vector<16xf32>,
      %gather3A_190 = tpu.vector_load_idx %arg10[%add3A_138, %broadcast_in_dim3A_188] : memref<512x64xf32, #tpu.memory_space<vmem>>[vector<16xi32>, vector<16xi32>], vector<16xf32>,
      %mul3A_191 = arith.mulf %gather3A_189, %gather3A_190 : vector<16xf32>
      %add3A_192 = arith.addf %add3A_186, %mul3A_191 : vector<16xf32>
      %broadcast_in_dim3A_193 = arith.constant 9 : i32
      %broadcast_in_dim3A_194 = vector.broadcast %broadcast_in_dim3A_193 : i32 to vector<16xi32>
      %gather3A_195 = tpu.vector_load_idx %arg9[%add3A_138, %broadcast_in_dim3A_194] : memref<512x64xf32, #tpu.memory_space<vmem>>[vector<16xi32>, vector<16xi32>], vector<16xf32>,
      %gather3A_196 = tpu.vector_load_idx %arg10[%add3A_138, %broadcast_in_dim3A_194] : memref<512x64xf32, #tpu.memory_space<vmem>>[vector<16xi32>, vector<16xi32>], vector<16xf32>,
      %mul3A_197 = arith.mulf %gather3A_195, %gather3A_196 : vector<16xf32>
      %add3A_198 = arith.addf %add3A_192, %mul3A_197 : vector<16xf32>
      %broadcast_in_dim3A_199 = arith.constant 10 : i32
      %broadcast_in_dim3A_200 = vector.broadcast %broadcast_in_dim3A_199 : i32 to vector<16xi32>
      %gather3A_201 = tpu.vector_load_idx %arg9[%add3A_138, %broadcast_in_dim3A_200] : memref<512x64xf32, #tpu.memory_space<vmem>>[vector<16xi32>, vector<16xi32>], vector<16xf32>,
      %gather3A_202 = tpu.vector_load_idx %arg10[%add3A_138, %broadcast_in_dim3A_200] : memref<512x64xf32, #tpu.memory_space<vmem>>[vector<16xi32>, vector<16xi32>], vector<16xf32>,
      %mul3A_203 = arith.mulf %gather3A_201, %gather3A_202 : vector<16xf32>
      %add3A_204 = arith.addf %add3A_198, %mul3A_203 : vector<16xf32>
      %broadcast_in_dim3A_205 = arith.constant 11 : i32
      %broadcast_in_dim3A_206 = vector.broadcast %broadcast_in_dim3A_205 : i32 to vector<16xi32>
      %gather3A_207 = tpu.vector_load_idx %arg9[%add3A_138, %broadcast_in_dim3A_206] : memref<512x64xf32, #tpu.memory_space<vmem>>[vector<16xi32>, vector<16xi32>], vector<16xf32>,
      %gather3A_208 = tpu.vector_load_idx %arg10[%add3A_138, %broadcast_in_dim3A_206] : memref<512x64xf32, #tpu.memory_space<vmem>>[vector<16xi32>, vector<16xi32>], vector<16xf32>,
      %mul3A_209 = arith.mulf %gather3A_207, %gather3A_208 : vector<16xf32>
      %add3A_210 = arith.addf %add3A_204, %mul3A_209 : vector<16xf32>
      %broadcast_in_dim3A_211 = arith.constant 12 : i32
      %broadcast_in_dim3A_212 = vector.broadcast %broadcast_in_dim3A_211 : i32 to vector<16xi32>
      %gather3A_213 = tpu.vector_load_idx %arg9[%add3A_138, %broadcast_in_dim3A_212] : memref<512x64xf32, #tpu.memory_space<vmem>>[vector<16xi32>, vector<16xi32>], vector<16xf32>,
      %gather3A_214 = tpu.vector_load_idx %arg10[%add3A_138, %broadcast_in_dim3A_212] : memref<512x64xf32, #tpu.memory_space<vmem>>[vector<16xi32>, vector<16xi32>], vector<16xf32>,
      %mul3A_215 = arith.mulf %gather3A_213, %gather3A_214 : vector<16xf32>
      %add3A_216 = arith.addf %add3A_210, %mul3A_215 : vector<16xf32>
      %broadcast_in_dim3A_217 = arith.constant 13 : i32
      %broadcast_in_dim3A_218 = vector.broadcast %broadcast_in_dim3A_217 : i32 to vector<16xi32>
      %gather3A_219 = tpu.vector_load_idx %arg9[%add3A_138, %broadcast_in_dim3A_218] : memref<512x64xf32, #tpu.memory_space<vmem>>[vector<16xi32>, vector<16xi32>], vector<16xf32>,
      %gather3A_220 = tpu.vector_load_idx %arg10[%add3A_138, %broadcast_in_dim3A_218] : memref<512x64xf32, #tpu.memory_space<vmem>>[vector<16xi32>, vector<16xi32>], vector<16xf32>,
      %mul3A_221 = arith.mulf %gather3A_219, %gather3A_220 : vector<16xf32>
      %add3A_222 = arith.addf %add3A_216, %mul3A_221 : vector<16xf32>
      %broadcast_in_dim3A_223 = arith.constant 14 : i32
      %broadcast_in_dim3A_224 = vector.broadcast %broadcast_in_dim3A_223 : i32 to vector<16xi32>
      %gather3A_225 = tpu.vector_load_idx %arg9[%add3A_138, %broadcast_in_dim3A_224] : memref<512x64xf32, #tpu.memory_space<vmem>>[vector<16xi32>, vector<16xi32>], vector<16xf32>,
      %gather3A_226 = tpu.vector_load_idx %arg10[%add3A_138, %broadcast_in_dim3A_224] : memref<512x64xf32, #tpu.memory_space<vmem>>[vector<16xi32>, vector<16xi32>], vector<16xf32>,
      %mul3A_227 = arith.mulf %gather3A_225, %gather3A_226 : vector<16xf32>
      %add3A_228 = arith.addf %add3A_222, %mul3A_227 : vector<16xf32>
      %broadcast_in_dim3A_229 = arith.constant 15 : i32
      %broadcast_in_dim3A_230 = vector.broadcast %broadcast_in_dim3A_229 : i32 to vector<16xi32>
      %gather3A_231 = tpu.vector_load_idx %arg9[%add3A_138, %broadcast_in_dim3A_230] : memref<512x64xf32, #tpu.memory_space<vmem>>[vector<16xi32>, vector<16xi32>], vector<16xf32>,
      %gather3A_232 = tpu.vector_load_idx %arg10[%add3A_138, %broadcast_in_dim3A_230] : memref<512x64xf32, #tpu.memory_space<vmem>>[vector<16xi32>, vector<16xi32>], vector<16xf32>,
      %mul3A_233 = arith.mulf %gather3A_231, %gather3A_232 : vector<16xf32>
      %add3A_234 = arith.addf %add3A_228, %mul3A_233 : vector<16xf32>
      %broadcast_in_dim3A_235 = arith.constant 16 : i32
      %broadcast_in_dim3A_236 = vector.broadcast %broadcast_in_dim3A_235 : i32 to vector<16xi32>
      %gather3A_237 = tpu.vector_load_idx %arg9[%add3A_138, %broadcast_in_dim3A_236] : memref<512x64xf32, #tpu.memory_space<vmem>>[vector<16xi32>, vector<16xi32>], vector<16xf32>,
      %gather3A_238 = tpu.vector_load_idx %arg10[%add3A_138, %broadcast_in_dim3A_236] : memref<512x64xf32, #tpu.memory_space<vmem>>[vector<16xi32>, vector<16xi32>], vector<16xf32>,
      %mul3A_239 = arith.mulf %gather3A_237, %gather3A_238 : vector<16xf32>
      %add3A_240 = arith.addf %add3A_234, %mul3A_239 : vector<16xf32>
      %broadcast_in_dim3A_241 = arith.constant 17 : i32
      %broadcast_in_dim3A_242 = vector.broadcast %broadcast_in_dim3A_241 : i32 to vector<16xi32>
      %gather3A_243 = tpu.vector_load_idx %arg9[%add3A_138, %broadcast_in_dim3A_242] : memref<512x64xf32, #tpu.memory_space<vmem>>[vector<16xi32>, vector<16xi32>], vector<16xf32>,
      %gather3A_244 = tpu.vector_load_idx %arg10[%add3A_138, %broadcast_in_dim3A_242] : memref<512x64xf32, #tpu.memory_space<vmem>>[vector<16xi32>, vector<16xi32>], vector<16xf32>,
      %mul3A_245 = arith.mulf %gather3A_243, %gather3A_244 : vector<16xf32>
      %add3A_246 = arith.addf %add3A_240, %mul3A_245 : vector<16xf32>
      %broadcast_in_dim3A_247 = arith.constant 18 : i32
      %broadcast_in_dim3A_248 = vector.broadcast %broadcast_in_dim3A_247 : i32 to vector<16xi32>
      %gather3A_249 = tpu.vector_load_idx %arg9[%add3A_138, %broadcast_in_dim3A_248] : memref<512x64xf32, #tpu.memory_space<vmem>>[vector<16xi32>, vector<16xi32>], vector<16xf32>,
      %gather3A_250 = tpu.vector_load_idx %arg10[%add3A_138, %broadcast_in_dim3A_248] : memref<512x64xf32, #tpu.memory_space<vmem>>[vector<16xi32>, vector<16xi32>], vector<16xf32>,
      %mul3A_251 = arith.mulf %gather3A_249, %gather3A_250 : vector<16xf32>
      %add3A_252 = arith.addf %add3A_246, %mul3A_251 : vector<16xf32>
      %broadcast_in_dim3A_253 = arith.constant 19 : i32
      %broadcast_in_dim3A_254 = vector.broadcast %broadcast_in_dim3A_253 : i32 to vector<16xi32>
      %gather3A_255 = tpu.vector_load_idx %arg9[%add3A_138, %broadcast_in_dim3A_254] : memref<512x64xf32, #tpu.memory_space<vmem>>[vector<16xi32>, vector<16xi32>], vector<16xf32>,
      %gather3A_256 = tpu.vector_load_idx %arg10[%add3A_138, %broadcast_in_dim3A_254] : memref<512x64xf32, #tpu.memory_space<vmem>>[vector<16xi32>, vector<16xi32>], vector<16xf32>,
      %mul3A_257 = arith.mulf %gather3A_255, %gather3A_256 : vector<16xf32>
      %add3A_258 = arith.addf %add3A_252, %mul3A_257 : vector<16xf32>
      %broadcast_in_dim3A_259 = arith.constant 20 : i32
      %broadcast_in_dim3A_260 = vector.broadcast %broadcast_in_dim3A_259 : i32 to vector<16xi32>
      %gather3A_261 = tpu.vector_load_idx %arg9[%add3A_138, %broadcast_in_dim3A_260] : memref<512x64xf32, #tpu.memory_space<vmem>>[vector<16xi32>, vector<16xi32>], vector<16xf32>,
      %gather3A_262 = tpu.vector_load_idx %arg10[%add3A_138, %broadcast_in_dim3A_260] : memref<512x64xf32, #tpu.memory_space<vmem>>[vector<16xi32>, vector<16xi32>], vector<16xf32>,
      %mul3A_263 = arith.mulf %gather3A_261, %gather3A_262 : vector<16xf32>
      %add3A_264 = arith.addf %add3A_258, %mul3A_263 : vector<16xf32>
      %broadcast_in_dim3A_265 = arith.constant 21 : i32
      %broadcast_in_dim3A_266 = vector.broadcast %broadcast_in_dim3A_265 : i32 to vector<16xi32>
      %gather3A_267 = tpu.vector_load_idx %arg9[%add3A_138, %broadcast_in_dim3A_266] : memref<512x64xf32, #tpu.memory_space<vmem>>[vector<16xi32>, vector<16xi32>], vector<16xf32>,
      %gather3A_268 = tpu.vector_load_idx %arg10[%add3A_138, %broadcast_in_dim3A_266] : memref<512x64xf32, #tpu.memory_space<vmem>>[vector<16xi32>, vector<16xi32>], vector<16xf32>,
      %mul3A_269 = arith.mulf %gather3A_267, %gather3A_268 : vector<16xf32>
      %add3A_270 = arith.addf %add3A_264, %mul3A_269 : vector<16xf32>
      %broadcast_in_dim3A_271 = arith.constant 22 : i32
      %broadcast_in_dim3A_272 = vector.broadcast %broadcast_in_dim3A_271 : i32 to vector<16xi32>
      %gather3A_273 = tpu.vector_load_idx %arg9[%add3A_138, %broadcast_in_dim3A_272] : memref<512x64xf32, #tpu.memory_space<vmem>>[vector<16xi32>, vector<16xi32>], vector<16xf32>,
      %gather3A_274 = tpu.vector_load_idx %arg10[%add3A_138, %broadcast_in_dim3A_272] : memref<512x64xf32, #tpu.memory_space<vmem>>[vector<16xi32>, vector<16xi32>], vector<16xf32>,
      %mul3A_275 = arith.mulf %gather3A_273, %gather3A_274 : vector<16xf32>
      %add3A_276 = arith.addf %add3A_270, %mul3A_275 : vector<16xf32>
      %broadcast_in_dim3A_277 = arith.constant 23 : i32
      %broadcast_in_dim3A_278 = vector.broadcast %broadcast_in_dim3A_277 : i32 to vector<16xi32>
      %gather3A_279 = tpu.vector_load_idx %arg9[%add3A_138, %broadcast_in_dim3A_278] : memref<512x64xf32, #tpu.memory_space<vmem>>[vector<16xi32>, vector<16xi32>], vector<16xf32>,
      %gather3A_280 = tpu.vector_load_idx %arg10[%add3A_138, %broadcast_in_dim3A_278] : memref<512x64xf32, #tpu.memory_space<vmem>>[vector<16xi32>, vector<16xi32>], vector<16xf32>,
      %mul3A_281 = arith.mulf %gather3A_279, %gather3A_280 : vector<16xf32>
      %add3A_282 = arith.addf %add3A_276, %mul3A_281 : vector<16xf32>
      %broadcast_in_dim3A_283 = arith.constant 24 : i32
      %broadcast_in_dim3A_284 = vector.broadcast %broadcast_in_dim3A_283 : i32 to vector<16xi32>
      %gather3A_285 = tpu.vector_load_idx %arg9[%add3A_138, %broadcast_in_dim3A_284] : memref<512x64xf32, #tpu.memory_space<vmem>>[vector<16xi32>, vector<16xi32>], vector<16xf32>,
      %gather3A_286 = tpu.vector_load_idx %arg10[%add3A_138, %broadcast_in_dim3A_284] : memref<512x64xf32, #tpu.memory_space<vmem>>[vector<16xi32>, vector<16xi32>], vector<16xf32>,
      %mul3A_287 = arith.mulf %gather3A_285, %gather3A_286 : vector<16xf32>
      %add3A_288 = arith.addf %add3A_282, %mul3A_287 : vector<16xf32>
      %broadcast_in_dim3A_289 = arith.constant 25 : i32
      %broadcast_in_dim3A_290 = vector.broadcast %broadcast_in_dim3A_289 : i32 to vector<16xi32>
      %gather3A_291 = tpu.vector_load_idx %arg9[%add3A_138, %broadcast_in_dim3A_290] : memref<512x64xf32, #tpu.memory_space<vmem>>[vector<16xi32>, vector<16xi32>], vector<16xf32>,
      %gather3A_292 = tpu.vector_load_idx %arg10[%add3A_138, %broadcast_in_dim3A_290] : memref<512x64xf32, #tpu.memory_space<vmem>>[vector<16xi32>, vector<16xi32>], vector<16xf32>,
      %mul3A_293 = arith.mulf %gather3A_291, %gather3A_292 : vector<16xf32>
      %add3A_294 = arith.addf %add3A_288, %mul3A_293 : vector<16xf32>
      %broadcast_in_dim3A_295 = arith.constant 26 : i32
      %broadcast_in_dim3A_296 = vector.broadcast %broadcast_in_dim3A_295 : i32 to vector<16xi32>
      %gather3A_297 = tpu.vector_load_idx %arg9[%add3A_138, %broadcast_in_dim3A_296] : memref<512x64xf32, #tpu.memory_space<vmem>>[vector<16xi32>, vector<16xi32>], vector<16xf32>,
      %gather3A_298 = tpu.vector_load_idx %arg10[%add3A_138, %broadcast_in_dim3A_296] : memref<512x64xf32, #tpu.memory_space<vmem>>[vector<16xi32>, vector<16xi32>], vector<16xf32>,
      %mul3A_299 = arith.mulf %gather3A_297, %gather3A_298 : vector<16xf32>
      %add3A_300 = arith.addf %add3A_294, %mul3A_299 : vector<16xf32>
      %broadcast_in_dim3A_301 = arith.constant 27 : i32
      %broadcast_in_dim3A_302 = vector.broadcast %broadcast_in_dim3A_301 : i32 to vector<16xi32>
      %gather3A_303 = tpu.vector_load_idx %arg9[%add3A_138, %broadcast_in_dim3A_302] : memref<512x64xf32, #tpu.memory_space<vmem>>[vector<16xi32>, vector<16xi32>], vector<16xf32>,
      %gather3A_304 = tpu.vector_load_idx %arg10[%add3A_138, %broadcast_in_dim3A_302] : memref<512x64xf32, #tpu.memory_space<vmem>>[vector<16xi32>, vector<16xi32>], vector<16xf32>,
      %mul3A_305 = arith.mulf %gather3A_303, %gather3A_304 : vector<16xf32>
      %add3A_306 = arith.addf %add3A_300, %mul3A_305 : vector<16xf32>
      %broadcast_in_dim3A_307 = arith.constant 28 : i32
      %broadcast_in_dim3A_308 = vector.broadcast %broadcast_in_dim3A_307 : i32 to vector<16xi32>
      %gather3A_309 = tpu.vector_load_idx %arg9[%add3A_138, %broadcast_in_dim3A_308] : memref<512x64xf32, #tpu.memory_space<vmem>>[vector<16xi32>, vector<16xi32>], vector<16xf32>,
      %gather3A_310 = tpu.vector_load_idx %arg10[%add3A_138, %broadcast_in_dim3A_308] : memref<512x64xf32, #tpu.memory_space<vmem>>[vector<16xi32>, vector<16xi32>], vector<16xf32>,
      %mul3A_311 = arith.mulf %gather3A_309, %gather3A_310 : vector<16xf32>
      %add3A_312 = arith.addf %add3A_306, %mul3A_311 : vector<16xf32>
      %broadcast_in_dim3A_313 = arith.constant 29 : i32
      %broadcast_in_dim3A_314 = vector.broadcast %broadcast_in_dim3A_313 : i32 to vector<16xi32>
      %gather3A_315 = tpu.vector_load_idx %arg9[%add3A_138, %broadcast_in_dim3A_314] : memref<512x64xf32, #tpu.memory_space<vmem>>[vector<16xi32>, vector<16xi32>], vector<16xf32>,
      %gather3A_316 = tpu.vector_load_idx %arg10[%add3A_138, %broadcast_in_dim3A_314] : memref<512x64xf32, #tpu.memory_space<vmem>>[vector<16xi32>, vector<16xi32>], vector<16xf32>,
      %mul3A_317 = arith.mulf %gather3A_315, %gather3A_316 : vector<16xf32>
      %add3A_318 = arith.addf %add3A_312, %mul3A_317 : vector<16xf32>
      %broadcast_in_dim3A_319 = arith.constant 30 : i32
      %broadcast_in_dim3A_320 = vector.broadcast %broadcast_in_dim3A_319 : i32 to vector<16xi32>
      %gather3A_321 = tpu.vector_load_idx %arg9[%add3A_138, %broadcast_in_dim3A_320] : memref<512x64xf32, #tpu.memory_space<vmem>>[vector<16xi32>, vector<16xi32>], vector<16xf32>,
      %gather3A_322 = tpu.vector_load_idx %arg10[%add3A_138, %broadcast_in_dim3A_320] : memref<512x64xf32, #tpu.memory_space<vmem>>[vector<16xi32>, vector<16xi32>], vector<16xf32>,
      %mul3A_323 = arith.mulf %gather3A_321, %gather3A_322 : vector<16xf32>
      %add3A_324 = arith.addf %add3A_318, %mul3A_323 : vector<16xf32>
      %broadcast_in_dim3A_325 = arith.constant 31 : i32
      %broadcast_in_dim3A_326 = vector.broadcast %broadcast_in_dim3A_325 : i32 to vector<16xi32>
      %gather3A_327 = tpu.vector_load_idx %arg9[%add3A_138, %broadcast_in_dim3A_326] : memref<512x64xf32, #tpu.memory_space<vmem>>[vector<16xi32>, vector<16xi32>], vector<16xf32>,
      %gather3A_328 = tpu.vector_load_idx %arg10[%add3A_138, %broadcast_in_dim3A_326] : memref<512x64xf32, #tpu.memory_space<vmem>>[vector<16xi32>, vector<16xi32>], vector<16xf32>,
      %mul3A_329 = arith.mulf %gather3A_327, %gather3A_328 : vector<16xf32>
      %add3A_330 = arith.addf %add3A_324, %mul3A_329 : vector<16xf32>
      %broadcast_in_dim3A_331 = arith.constant 32 : i32
      %broadcast_in_dim3A_332 = vector.broadcast %broadcast_in_dim3A_331 : i32 to vector<16xi32>
      %gather3A_333 = tpu.vector_load_idx %arg9[%add3A_138, %broadcast_in_dim3A_332] : memref<512x64xf32, #tpu.memory_space<vmem>>[vector<16xi32>, vector<16xi32>], vector<16xf32>,
      %gather3A_334 = tpu.vector_load_idx %arg10[%add3A_138, %broadcast_in_dim3A_332] : memref<512x64xf32, #tpu.memory_space<vmem>>[vector<16xi32>, vector<16xi32>], vector<16xf32>,
      %mul3A_335 = arith.mulf %gather3A_333, %gather3A_334 : vector<16xf32>
      %add3A_336 = arith.addf %add3A_330, %mul3A_335 : vector<16xf32>
      %broadcast_in_dim3A_337 = arith.constant 33 : i32
      %broadcast_in_dim3A_338 = vector.broadcast %broadcast_in_dim3A_337 : i32 to vector<16xi32>
      %gather3A_339 = tpu.vector_load_idx %arg9[%add3A_138, %broadcast_in_dim3A_338] : memref<512x64xf32, #tpu.memory_space<vmem>>[vector<16xi32>, vector<16xi32>], vector<16xf32>,
      %gather3A_340 = tpu.vector_load_idx %arg10[%add3A_138, %broadcast_in_dim3A_338] : memref<512x64xf32, #tpu.memory_space<vmem>>[vector<16xi32>, vector<16xi32>], vector<16xf32>,
      %mul3A_341 = arith.mulf %gather3A_339, %gather3A_340 : vector<16xf32>
      %add3A_342 = arith.addf %add3A_336, %mul3A_341 : vector<16xf32>
      %broadcast_in_dim3A_343 = arith.constant 34 : i32
      %broadcast_in_dim3A_344 = vector.broadcast %broadcast_in_dim3A_343 : i32 to vector<16xi32>
      %gather3A_345 = tpu.vector_load_idx %arg9[%add3A_138, %broadcast_in_dim3A_344] : memref<512x64xf32, #tpu.memory_space<vmem>>[vector<16xi32>, vector<16xi32>], vector<16xf32>,
      %gather3A_346 = tpu.vector_load_idx %arg10[%add3A_138, %broadcast_in_dim3A_344] : memref<512x64xf32, #tpu.memory_space<vmem>>[vector<16xi32>, vector<16xi32>], vector<16xf32>,
      %mul3A_347 = arith.mulf %gather3A_345, %gather3A_346 : vector<16xf32>
      %add3A_348 = arith.addf %add3A_342, %mul3A_347 : vector<16xf32>
      %broadcast_in_dim3A_349 = arith.constant 35 : i32
      %broadcast_in_dim3A_350 = vector.broadcast %broadcast_in_dim3A_349 : i32 to vector<16xi32>
      %gather3A_351 = tpu.vector_load_idx %arg9[%add3A_138, %broadcast_in_dim3A_350] : memref<512x64xf32, #tpu.memory_space<vmem>>[vector<16xi32>, vector<16xi32>], vector<16xf32>,
      %gather3A_352 = tpu.vector_load_idx %arg10[%add3A_138, %broadcast_in_dim3A_350] : memref<512x64xf32, #tpu.memory_space<vmem>>[vector<16xi32>, vector<16xi32>], vector<16xf32>,
      %mul3A_353 = arith.mulf %gather3A_351, %gather3A_352 : vector<16xf32>
      %add3A_354 = arith.addf %add3A_348, %mul3A_353 : vector<16xf32>
      %broadcast_in_dim3A_355 = arith.constant 36 : i32
      %broadcast_in_dim3A_356 = vector.broadcast %broadcast_in_dim3A_355 : i32 to vector<16xi32>
      %gather3A_357 = tpu.vector_load_idx %arg9[%add3A_138, %broadcast_in_dim3A_356] : memref<512x64xf32, #tpu.memory_space<vmem>>[vector<16xi32>, vector<16xi32>], vector<16xf32>,
      %gather3A_358 = tpu.vector_load_idx %arg10[%add3A_138, %broadcast_in_dim3A_356] : memref<512x64xf32, #tpu.memory_space<vmem>>[vector<16xi32>, vector<16xi32>], vector<16xf32>,
      %mul3A_359 = arith.mulf %gather3A_357, %gather3A_358 : vector<16xf32>
      %add3A_360 = arith.addf %add3A_354, %mul3A_359 : vector<16xf32>
      %broadcast_in_dim3A_361 = arith.constant 37 : i32
      %broadcast_in_dim3A_362 = vector.broadcast %broadcast_in_dim3A_361 : i32 to vector<16xi32>
      %gather3A_363 = tpu.vector_load_idx %arg9[%add3A_138, %broadcast_in_dim3A_362] : memref<512x64xf32, #tpu.memory_space<vmem>>[vector<16xi32>, vector<16xi32>], vector<16xf32>,
      %gather3A_364 = tpu.vector_load_idx %arg10[%add3A_138, %broadcast_in_dim3A_362] : memref<512x64xf32, #tpu.memory_space<vmem>>[vector<16xi32>, vector<16xi32>], vector<16xf32>,
      %mul3A_365 = arith.mulf %gather3A_363, %gather3A_364 : vector<16xf32>
      %add3A_366 = arith.addf %add3A_360, %mul3A_365 : vector<16xf32>
      %broadcast_in_dim3A_367 = arith.constant 38 : i32
      %broadcast_in_dim3A_368 = vector.broadcast %broadcast_in_dim3A_367 : i32 to vector<16xi32>
      %gather3A_369 = tpu.vector_load_idx %arg9[%add3A_138, %broadcast_in_dim3A_368] : memref<512x64xf32, #tpu.memory_space<vmem>>[vector<16xi32>, vector<16xi32>], vector<16xf32>,
      %gather3A_370 = tpu.vector_load_idx %arg10[%add3A_138, %broadcast_in_dim3A_368] : memref<512x64xf32, #tpu.memory_space<vmem>>[vector<16xi32>, vector<16xi32>], vector<16xf32>,
      %mul3A_371 = arith.mulf %gather3A_369, %gather3A_370 : vector<16xf32>
      %add3A_372 = arith.addf %add3A_366, %mul3A_371 : vector<16xf32>
      %broadcast_in_dim3A_373 = arith.constant 39 : i32
      %broadcast_in_dim3A_374 = vector.broadcast %broadcast_in_dim3A_373 : i32 to vector<16xi32>
      %gather3A_375 = tpu.vector_load_idx %arg9[%add3A_138, %broadcast_in_dim3A_374] : memref<512x64xf32, #tpu.memory_space<vmem>>[vector<16xi32>, vector<16xi32>], vector<16xf32>,
      %gather3A_376 = tpu.vector_load_idx %arg10[%add3A_138, %broadcast_in_dim3A_374] : memref<512x64xf32, #tpu.memory_space<vmem>>[vector<16xi32>, vector<16xi32>], vector<16xf32>,
      %mul3A_377 = arith.mulf %gather3A_375, %gather3A_376 : vector<16xf32>
      %add3A_378 = arith.addf %add3A_372, %mul3A_377 : vector<16xf32>
      %broadcast_in_dim3A_379 = arith.constant 40 : i32
      %broadcast_in_dim3A_380 = vector.broadcast %broadcast_in_dim3A_379 : i32 to vector<16xi32>
      %gather3A_381 = tpu.vector_load_idx %arg9[%add3A_138, %broadcast_in_dim3A_380] : memref<512x64xf32, #tpu.memory_space<vmem>>[vector<16xi32>, vector<16xi32>], vector<16xf32>,
      %gather3A_382 = tpu.vector_load_idx %arg10[%add3A_138, %broadcast_in_dim3A_380] : memref<512x64xf32, #tpu.memory_space<vmem>>[vector<16xi32>, vector<16xi32>], vector<16xf32>,
      %mul3A_383 = arith.mulf %gather3A_381, %gather3A_382 : vector<16xf32>
      %add3A_384 = arith.addf %add3A_378, %mul3A_383 : vector<16xf32>
      %broadcast_in_dim3A_385 = arith.constant 41 : i32
      %broadcast_in_dim3A_386 = vector.broadcast %broadcast_in_dim3A_385 : i32 to vector<16xi32>
      %gather3A_387 = tpu.vector_load_idx %arg9[%add3A_138, %broadcast_in_dim3A_386] : memref<512x64xf32, #tpu.memory_space<vmem>>[vector<16xi32>, vector<16xi32>], vector<16xf32>,
      %gather3A_388 = tpu.vector_load_idx %arg10[%add3A_138, %broadcast_in_dim3A_386] : memref<512x64xf32, #tpu.memory_space<vmem>>[vector<16xi32>, vector<16xi32>], vector<16xf32>,
      %mul3A_389 = arith.mulf %gather3A_387, %gather3A_388 : vector<16xf32>
      %add3A_390 = arith.addf %add3A_384, %mul3A_389 : vector<16xf32>
      %broadcast_in_dim3A_391 = arith.constant 42 : i32
      %broadcast_in_dim3A_392 = vector.broadcast %broadcast_in_dim3A_391 : i32 to vector<16xi32>
      %gather3A_393 = tpu.vector_load_idx %arg9[%add3A_138, %broadcast_in_dim3A_392] : memref<512x64xf32, #tpu.memory_space<vmem>>[vector<16xi32>, vector<16xi32>], vector<16xf32>,
      %gather3A_394 = tpu.vector_load_idx %arg10[%add3A_138, %broadcast_in_dim3A_392] : memref<512x64xf32, #tpu.memory_space<vmem>>[vector<16xi32>, vector<16xi32>], vector<16xf32>,
      %mul3A_395 = arith.mulf %gather3A_393, %gather3A_394 : vector<16xf32>
      %add3A_396 = arith.addf %add3A_390, %mul3A_395 : vector<16xf32>
      %broadcast_in_dim3A_397 = arith.constant 43 : i32
      %broadcast_in_dim3A_398 = vector.broadcast %broadcast_in_dim3A_397 : i32 to vector<16xi32>
      %gather3A_399 = tpu.vector_load_idx %arg9[%add3A_138, %broadcast_in_dim3A_398] : memref<512x64xf32, #tpu.memory_space<vmem>>[vector<16xi32>, vector<16xi32>], vector<16xf32>,
      %gather3A_400 = tpu.vector_load_idx %arg10[%add3A_138, %broadcast_in_dim3A_398] : memref<512x64xf32, #tpu.memory_space<vmem>>[vector<16xi32>, vector<16xi32>], vector<16xf32>,
      %mul3A_401 = arith.mulf %gather3A_399, %gather3A_400 : vector<16xf32>
      %add3A_402 = arith.addf %add3A_396, %mul3A_401 : vector<16xf32>
      %broadcast_in_dim3A_403 = arith.constant 44 : i32
      %broadcast_in_dim3A_404 = vector.broadcast %broadcast_in_dim3A_403 : i32 to vector<16xi32>
      %gather3A_405 = tpu.vector_load_idx %arg9[%add3A_138, %broadcast_in_dim3A_404] : memref<512x64xf32, #tpu.memory_space<vmem>>[vector<16xi32>, vector<16xi32>], vector<16xf32>,
      %gather3A_406 = tpu.vector_load_idx %arg10[%add3A_138, %broadcast_in_dim3A_404] : memref<512x64xf32, #tpu.memory_space<vmem>>[vector<16xi32>, vector<16xi32>], vector<16xf32>,
      %mul3A_407 = arith.mulf %gather3A_405, %gather3A_406 : vector<16xf32>
      %add3A_408 = arith.addf %add3A_402, %mul3A_407 : vector<16xf32>
      %broadcast_in_dim3A_409 = arith.constant 45 : i32
      %broadcast_in_dim3A_410 = vector.broadcast %broadcast_in_dim3A_409 : i32 to vector<16xi32>
      %gather3A_411 = tpu.vector_load_idx %arg9[%add3A_138, %broadcast_in_dim3A_410] : memref<512x64xf32, #tpu.memory_space<vmem>>[vector<16xi32>, vector<16xi32>], vector<16xf32>,
      %gather3A_412 = tpu.vector_load_idx %arg10[%add3A_138, %broadcast_in_dim3A_410] : memref<512x64xf32, #tpu.memory_space<vmem>>[vector<16xi32>, vector<16xi32>], vector<16xf32>,
      %mul3A_413 = arith.mulf %gather3A_411, %gather3A_412 : vector<16xf32>
      %add3A_414 = arith.addf %add3A_408, %mul3A_413 : vector<16xf32>
      %broadcast_in_dim3A_415 = arith.constant 46 : i32
      %broadcast_in_dim3A_416 = vector.broadcast %broadcast_in_dim3A_415 : i32 to vector<16xi32>
      %gather3A_417 = tpu.vector_load_idx %arg9[%add3A_138, %broadcast_in_dim3A_416] : memref<512x64xf32, #tpu.memory_space<vmem>>[vector<16xi32>, vector<16xi32>], vector<16xf32>,
      %gather3A_418 = tpu.vector_load_idx %arg10[%add3A_138, %broadcast_in_dim3A_416] : memref<512x64xf32, #tpu.memory_space<vmem>>[vector<16xi32>, vector<16xi32>], vector<16xf32>,
      %mul3A_419 = arith.mulf %gather3A_417, %gather3A_418 : vector<16xf32>
      %add3A_420 = arith.addf %add3A_414, %mul3A_419 : vector<16xf32>
      %broadcast_in_dim3A_421 = arith.constant 47 : i32
      %broadcast_in_dim3A_422 = vector.broadcast %broadcast_in_dim3A_421 : i32 to vector<16xi32>
      %gather3A_423 = tpu.vector_load_idx %arg9[%add3A_138, %broadcast_in_dim3A_422] : memref<512x64xf32, #tpu.memory_space<vmem>>[vector<16xi32>, vector<16xi32>], vector<16xf32>,
      %gather3A_424 = tpu.vector_load_idx %arg10[%add3A_138, %broadcast_in_dim3A_422] : memref<512x64xf32, #tpu.memory_space<vmem>>[vector<16xi32>, vector<16xi32>], vector<16xf32>,
      %mul3A_425 = arith.mulf %gather3A_423, %gather3A_424 : vector<16xf32>
      %add3A_426 = arith.addf %add3A_420, %mul3A_425 : vector<16xf32>
      %broadcast_in_dim3A_427 = arith.constant 48 : i32
      %broadcast_in_dim3A_428 = vector.broadcast %broadcast_in_dim3A_427 : i32 to vector<16xi32>
      %gather3A_429 = tpu.vector_load_idx %arg9[%add3A_138, %broadcast_in_dim3A_428] : memref<512x64xf32, #tpu.memory_space<vmem>>[vector<16xi32>, vector<16xi32>], vector<16xf32>,
      %gather3A_430 = tpu.vector_load_idx %arg10[%add3A_138, %broadcast_in_dim3A_428] : memref<512x64xf32, #tpu.memory_space<vmem>>[vector<16xi32>, vector<16xi32>], vector<16xf32>,
      %mul3A_431 = arith.mulf %gather3A_429, %gather3A_430 : vector<16xf32>
      %add3A_432 = arith.addf %add3A_426, %mul3A_431 : vector<16xf32>
      %broadcast_in_dim3A_433 = arith.constant 49 : i32
      %broadcast_in_dim3A_434 = vector.broadcast %broadcast_in_dim3A_433 : i32 to vector<16xi32>
      %gather3A_435 = tpu.vector_load_idx %arg9[%add3A_138, %broadcast_in_dim3A_434] : memref<512x64xf32, #tpu.memory_space<vmem>>[vector<16xi32>, vector<16xi32>], vector<16xf32>,
      %gather3A_436 = tpu.vector_load_idx %arg10[%add3A_138, %broadcast_in_dim3A_434] : memref<512x64xf32, #tpu.memory_space<vmem>>[vector<16xi32>, vector<16xi32>], vector<16xf32>,
      %mul3A_437 = arith.mulf %gather3A_435, %gather3A_436 : vector<16xf32>
      %add3A_438 = arith.addf %add3A_432, %mul3A_437 : vector<16xf32>
      %broadcast_in_dim3A_439 = arith.constant 50 : i32
      %broadcast_in_dim3A_440 = vector.broadcast %broadcast_in_dim3A_439 : i32 to vector<16xi32>
      %gather3A_441 = tpu.vector_load_idx %arg9[%add3A_138, %broadcast_in_dim3A_440] : memref<512x64xf32, #tpu.memory_space<vmem>>[vector<16xi32>, vector<16xi32>], vector<16xf32>,
      %gather3A_442 = tpu.vector_load_idx %arg10[%add3A_138, %broadcast_in_dim3A_440] : memref<512x64xf32, #tpu.memory_space<vmem>>[vector<16xi32>, vector<16xi32>], vector<16xf32>,
      %mul3A_443 = arith.mulf %gather3A_441, %gather3A_442 : vector<16xf32>
      %add3A_444 = arith.addf %add3A_438, %mul3A_443 : vector<16xf32>
      %broadcast_in_dim3A_445 = arith.constant 51 : i32
      %broadcast_in_dim3A_446 = vector.broadcast %broadcast_in_dim3A_445 : i32 to vector<16xi32>
      %gather3A_447 = tpu.vector_load_idx %arg9[%add3A_138, %broadcast_in_dim3A_446] : memref<512x64xf32, #tpu.memory_space<vmem>>[vector<16xi32>, vector<16xi32>], vector<16xf32>,
      %gather3A_448 = tpu.vector_load_idx %arg10[%add3A_138, %broadcast_in_dim3A_446] : memref<512x64xf32, #tpu.memory_space<vmem>>[vector<16xi32>, vector<16xi32>], vector<16xf32>,
      %mul3A_449 = arith.mulf %gather3A_447, %gather3A_448 : vector<16xf32>
      %add3A_450 = arith.addf %add3A_444, %mul3A_449 : vector<16xf32>
      %broadcast_in_dim3A_451 = arith.constant 52 : i32
      %broadcast_in_dim3A_452 = vector.broadcast %broadcast_in_dim3A_451 : i32 to vector<16xi32>
      %gather3A_453 = tpu.vector_load_idx %arg9[%add3A_138, %broadcast_in_dim3A_452] : memref<512x64xf32, #tpu.memory_space<vmem>>[vector<16xi32>, vector<16xi32>], vector<16xf32>,
      %gather3A_454 = tpu.vector_load_idx %arg10[%add3A_138, %broadcast_in_dim3A_452] : memref<512x64xf32, #tpu.memory_space<vmem>>[vector<16xi32>, vector<16xi32>], vector<16xf32>,
      %mul3A_455 = arith.mulf %gather3A_453, %gather3A_454 : vector<16xf32>
      %add3A_456 = arith.addf %add3A_450, %mul3A_455 : vector<16xf32>
      %broadcast_in_dim3A_457 = arith.constant 53 : i32
      %broadcast_in_dim3A_458 = vector.broadcast %broadcast_in_dim3A_457 : i32 to vector<16xi32>
      %gather3A_459 = tpu.vector_load_idx %arg9[%add3A_138, %broadcast_in_dim3A_458] : memref<512x64xf32, #tpu.memory_space<vmem>>[vector<16xi32>, vector<16xi32>], vector<16xf32>,
      %gather3A_460 = tpu.vector_load_idx %arg10[%add3A_138, %broadcast_in_dim3A_458] : memref<512x64xf32, #tpu.memory_space<vmem>>[vector<16xi32>, vector<16xi32>], vector<16xf32>,
      %mul3A_461 = arith.mulf %gather3A_459, %gather3A_460 : vector<16xf32>
      %add3A_462 = arith.addf %add3A_456, %mul3A_461 : vector<16xf32>
      %broadcast_in_dim3A_463 = arith.constant 54 : i32
      %broadcast_in_dim3A_464 = vector.broadcast %broadcast_in_dim3A_463 : i32 to vector<16xi32>
      %gather3A_465 = tpu.vector_load_idx %arg9[%add3A_138, %broadcast_in_dim3A_464] : memref<512x64xf32, #tpu.memory_space<vmem>>[vector<16xi32>, vector<16xi32>], vector<16xf32>,
      %gather3A_466 = tpu.vector_load_idx %arg10[%add3A_138, %broadcast_in_dim3A_464] : memref<512x64xf32, #tpu.memory_space<vmem>>[vector<16xi32>, vector<16xi32>], vector<16xf32>,
      %mul3A_467 = arith.mulf %gather3A_465, %gather3A_466 : vector<16xf32>
      %add3A_468 = arith.addf %add3A_462, %mul3A_467 : vector<16xf32>
      %broadcast_in_dim3A_469 = arith.constant 55 : i32
      %broadcast_in_dim3A_470 = vector.broadcast %broadcast_in_dim3A_469 : i32 to vector<16xi32>
      %gather3A_471 = tpu.vector_load_idx %arg9[%add3A_138, %broadcast_in_dim3A_470] : memref<512x64xf32, #tpu.memory_space<vmem>>[vector<16xi32>, vector<16xi32>], vector<16xf32>,
      %gather3A_472 = tpu.vector_load_idx %arg10[%add3A_138, %broadcast_in_dim3A_470] : memref<512x64xf32, #tpu.memory_space<vmem>>[vector<16xi32>, vector<16xi32>], vector<16xf32>,
      %mul3A_473 = arith.mulf %gather3A_471, %gather3A_472 : vector<16xf32>
      %add3A_474 = arith.addf %add3A_468, %mul3A_473 : vector<16xf32>
      %broadcast_in_dim3A_475 = arith.constant 56 : i32
      %broadcast_in_dim3A_476 = vector.broadcast %broadcast_in_dim3A_475 : i32 to vector<16xi32>
      %gather3A_477 = tpu.vector_load_idx %arg9[%add3A_138, %broadcast_in_dim3A_476] : memref<512x64xf32, #tpu.memory_space<vmem>>[vector<16xi32>, vector<16xi32>], vector<16xf32>,
      %gather3A_478 = tpu.vector_load_idx %arg10[%add3A_138, %broadcast_in_dim3A_476] : memref<512x64xf32, #tpu.memory_space<vmem>>[vector<16xi32>, vector<16xi32>], vector<16xf32>,
      %mul3A_479 = arith.mulf %gather3A_477, %gather3A_478 : vector<16xf32>
      %add3A_480 = arith.addf %add3A_474, %mul3A_479 : vector<16xf32>
      %broadcast_in_dim3A_481 = arith.constant 57 : i32
      %broadcast_in_dim3A_482 = vector.broadcast %broadcast_in_dim3A_481 : i32 to vector<16xi32>
      %gather3A_483 = tpu.vector_load_idx %arg9[%add3A_138, %broadcast_in_dim3A_482] : memref<512x64xf32, #tpu.memory_space<vmem>>[vector<16xi32>, vector<16xi32>], vector<16xf32>,
      %gather3A_484 = tpu.vector_load_idx %arg10[%add3A_138, %broadcast_in_dim3A_482] : memref<512x64xf32, #tpu.memory_space<vmem>>[vector<16xi32>, vector<16xi32>], vector<16xf32>,
      %mul3A_485 = arith.mulf %gather3A_483, %gather3A_484 : vector<16xf32>
      %add3A_486 = arith.addf %add3A_480, %mul3A_485 : vector<16xf32>
      %broadcast_in_dim3A_487 = arith.constant 58 : i32
      %broadcast_in_dim3A_488 = vector.broadcast %broadcast_in_dim3A_487 : i32 to vector<16xi32>
      %gather3A_489 = tpu.vector_load_idx %arg9[%add3A_138, %broadcast_in_dim3A_488] : memref<512x64xf32, #tpu.memory_space<vmem>>[vector<16xi32>, vector<16xi32>], vector<16xf32>,
      %gather3A_490 = tpu.vector_load_idx %arg10[%add3A_138, %broadcast_in_dim3A_488] : memref<512x64xf32, #tpu.memory_space<vmem>>[vector<16xi32>, vector<16xi32>], vector<16xf32>,
      %mul3A_491 = arith.mulf %gather3A_489, %gather3A_490 : vector<16xf32>
      %add3A_492 = arith.addf %add3A_486, %mul3A_491 : vector<16xf32>
      %broadcast_in_dim3A_493 = arith.constant 59 : i32
      %broadcast_in_dim3A_494 = vector.broadcast %broadcast_in_dim3A_493 : i32 to vector<16xi32>
      %gather3A_495 = tpu.vector_load_idx %arg9[%add3A_138, %broadcast_in_dim3A_494] : memref<512x64xf32, #tpu.memory_space<vmem>>[vector<16xi32>, vector<16xi32>], vector<16xf32>,
      %gather3A_496 = tpu.vector_load_idx %arg10[%add3A_138, %broadcast_in_dim3A_494] : memref<512x64xf32, #tpu.memory_space<vmem>>[vector<16xi32>, vector<16xi32>], vector<16xf32>,
      %mul3A_497 = arith.mulf %gather3A_495, %gather3A_496 : vector<16xf32>
      %add3A_498 = arith.addf %add3A_492, %mul3A_497 : vector<16xf32>
      %broadcast_in_dim3A_499 = arith.constant 60 : i32
      %broadcast_in_dim3A_500 = vector.broadcast %broadcast_in_dim3A_499 : i32 to vector<16xi32>
      %gather3A_501 = tpu.vector_load_idx %arg9[%add3A_138, %broadcast_in_dim3A_500] : memref<512x64xf32, #tpu.memory_space<vmem>>[vector<16xi32>, vector<16xi32>], vector<16xf32>,
      %gather3A_502 = tpu.vector_load_idx %arg10[%add3A_138, %broadcast_in_dim3A_500] : memref<512x64xf32, #tpu.memory_space<vmem>>[vector<16xi32>, vector<16xi32>], vector<16xf32>,
      %mul3A_503 = arith.mulf %gather3A_501, %gather3A_502 : vector<16xf32>
      %add3A_504 = arith.addf %add3A_498, %mul3A_503 : vector<16xf32>
      %broadcast_in_dim3A_505 = arith.constant 61 : i32
      %broadcast_in_dim3A_506 = vector.broadcast %broadcast_in_dim3A_505 : i32 to vector<16xi32>
      %gather3A_507 = tpu.vector_load_idx %arg9[%add3A_138, %broadcast_in_dim3A_506] : memref<512x64xf32, #tpu.memory_space<vmem>>[vector<16xi32>, vector<16xi32>], vector<16xf32>,
      %gather3A_508 = tpu.vector_load_idx %arg10[%add3A_138, %broadcast_in_dim3A_506] : memref<512x64xf32, #tpu.memory_space<vmem>>[vector<16xi32>, vector<16xi32>], vector<16xf32>,
      %mul3A_509 = arith.mulf %gather3A_507, %gather3A_508 : vector<16xf32>
      %add3A_510 = arith.addf %add3A_504, %mul3A_509 : vector<16xf32>
      %broadcast_in_dim3A_511 = arith.constant 62 : i32
      %broadcast_in_dim3A_512 = vector.broadcast %broadcast_in_dim3A_511 : i32 to vector<16xi32>
      %gather3A_513 = tpu.vector_load_idx %arg9[%add3A_138, %broadcast_in_dim3A_512] : memref<512x64xf32, #tpu.memory_space<vmem>>[vector<16xi32>, vector<16xi32>], vector<16xf32>,
      %gather3A_514 = tpu.vector_load_idx %arg10[%add3A_138, %broadcast_in_dim3A_512] : memref<512x64xf32, #tpu.memory_space<vmem>>[vector<16xi32>, vector<16xi32>], vector<16xf32>,
      %mul3A_515 = arith.mulf %gather3A_513, %gather3A_514 : vector<16xf32>
      %add3A_516 = arith.addf %add3A_510, %mul3A_515 : vector<16xf32>
      %broadcast_in_dim3A_517 = arith.constant 63 : i32
      %broadcast_in_dim3A_518 = vector.broadcast %broadcast_in_dim3A_517 : i32 to vector<16xi32>
      %gather3A_519 = tpu.vector_load_idx %arg9[%add3A_138, %broadcast_in_dim3A_518] : memref<512x64xf32, #tpu.memory_space<vmem>>[vector<16xi32>, vector<16xi32>], vector<16xf32>,
      %gather3A_520 = tpu.vector_load_idx %arg10[%add3A_138, %broadcast_in_dim3A_518] : memref<512x64xf32, #tpu.memory_space<vmem>>[vector<16xi32>, vector<16xi32>], vector<16xf32>,
      %mul3A_521 = arith.mulf %gather3A_519, %gather3A_520 : vector<16xf32>
      %add3A_522 = arith.addf %add3A_516, %mul3A_521 : vector<16xf32>
      %mul3A_523 = arith.constant 16 : i32
      %mul3A_524 = arith.muli %scan3A_134, %mul3A_523 : i32
      %swap3A = arith.index_cast %mul3A_524 : i32 to index
      %swap3A_525 = tpu.vector_load %arg11[%swap3A] {strides = array<i32>} : memref<512xf32, #tpu.memory_space<vmem>>, vector<16xf32>,
      tpu.vector_store %arg11[%swap3A], %add3A_522 {strides = array<i32>} : memref<512xf32, #tpu.memory_space<vmem>>, vector<16xf32>,
    }
    %scan3A_133 = arith.constant 32 : i32
    "tpu.region"() ({
      %run_scoped3A = tpu.sem_alloc : memref<!tpu.dma_semaphore, #tpu.memory_space<semaphore_mem>>
      %dma_start3A_134 = tpu.memref_slice %arg6[%mul3A_2] : memref<16384xf32, #tpu.memory_space<hbm>> -> memref<512xf32, #tpu.memory_space<hbm>>
      %dma_start3A_135 = tpu.memref_slice %arg6[%mul3A_2] : memref<16384xf32, #tpu.memory_space<hbm>> -> memref<512xf32, #tpu.memory_space<hbm>>
      tpu.enqueue_dma source(%arg11 : memref<512xf32, #tpu.memory_space<vmem>>) target(%dma_start3A_135 : memref<512xf32, #tpu.memory_space<hbm>>) target_semaphore(%run_scoped3A : memref<!tpu.dma_semaphore, #tpu.memory_space<semaphore_mem>>)
      %dma_wait3A_136 = tpu.memref_slice %arg6[%mul3A_2] : memref<16384xf32, #tpu.memory_space<hbm>> -> memref<512xf32, #tpu.memory_space<hbm>>
      %dma_wait3A_137 = tpu.memref_slice %arg6[%mul3A_2] : memref<16384xf32, #tpu.memory_space<hbm>> -> memref<512xf32, #tpu.memory_space<hbm>>
      tpu.wait_dma2 semaphore(%run_scoped3A : memref<!tpu.dma_semaphore, #tpu.memory_space<semaphore_mem>>) src(%arg11 : memref<512xf32, #tpu.memory_space<vmem>>) dst(%dma_wait3A_137 : memref<512xf32, #tpu.memory_space<hbm>>)
      tpu.yield
    }) : () -> ()
    return
  }
}

</mosaic_0001>

<sc_bundles>
// kernel: kernel.3.cloned.1.call-start
scs
__scs_entry_jumppad:
0x0: {  	(pc) =	sbr.rel $0x88, $3  }
0x1: {  	(tag) =	ssettag $0x0;
	lr =	simm.s32 $0x1  }
0x2: {  	[smem:$0x3F9D] =	sst lr;
	_ =	strace $0xD0000000  }
0x3: {  	_ = 	snop  }
0x4: {  	_ = 	snop  }
0x5: {  	_ = 	snop  }
0x6: {  	_ = 	snop  }
0x7: {  	_ = 	snop  }
__scs_overlays_trampoline_lowered:
0x8: {  	[smem:$0x3FAC] =	sst s0  }
0x9: {  	[smem:$0x3FAD] =	sst s1  }
0xa: {  	[smem:$0x3FAE] =	sst s2  }
0xb: {  	[smem:$0x3FAF] =	sst s3  }
0xc: {  	[smem:$0x3FB0] =	sst s4  }
0xd: {  	[smem:$0x3FB1] =	sst s5  }
0xe: {  	[smem:$0x3FB2] =	sst s6  }
0xf: {  	[smem:$0x3FB3] =	sst s7  }
0x10: {  	[smem:$0x3FB4] =	sst s8  }
0x11: {  	[smem:$0x3FB5] =	sst s9;
	s0 =	simm.s32 @!p0 $0x0  }
0x12: {  	s1 =	sld [smem:$0x3F9B];
	s0 =	simm.s32 @p0 $0x1  }
0x13: {  	[smem:$0x3FB6] =	sst s0;
	s0 =	simm.s32 @!p1 $0x0  }
0x14: {  	s2 =	sld [smem:$0x3F9A];
	s0 =	simm.s32 @p1 $0x1  }
0x15: {  	[smem:$0x3FB7] =	sst s0;
	s0 =	simm.s32 @!p2 $0x0  }
0x16: {  	s3 =	sld [smem:$0x3FDB];
	s0 =	simm.s32 @p2 $0x1  }
0x17: {  	s4 =	simm.s32 $0x1BF5;
	[smem:$0x3FB9] =	sst s0  }
0x18: {  	s0 =	sld [smem:$0x3F9C];
	_ =	swait.ge [sflag:s4], $0x0  }
0x19: {  	s7 =	sld [smem:$0x3F9D]  }
0x1a: {  	s8 =	sadd.s32 $0xFFFFE003, lr  }
0x1b: {  	s9 =	sadd.s32 $0xFFFFFEF7, lr;
	s5 =	simm.s32 $0xFFFFFFFF;
	p2 =	slt.u32 s8, $0xFFFFF086  }
0x1c: {  	p1 =	slt.u32 s9, $0xF7A;
	s5 =	simm.s32 @!p2 $0x0  }
0x1d: {  	s5 =	simm.s32 @p1 $0x1;
	p0 =	seq.s32 s7, s2  }
0x1e: {  	s7 =	smul.u32 @!p0 $0xF7A, s2;
	p2 =	seq.s32 @!p0 s5, $0x0  }
0x1f: {  	s9 =	smul.u32 $0xF7A, s1;
	s8 =	simm.s32 @!p0 $0x1BF5;
	p2 =	por !p2, p0  }
0x20: {  	[sflag:s8] =	ssyncset.s32 @!p0 $0xFFFFF086;
	s6 =	sadd.s32 @!p0 s3, s7;
	s7 =	simm.s32 @!p0 $0x108  }
0x21: {  	s3 =	sadd.s32 s3, s9;
	s6 =	sadd.s32 @!p0 $0x88, s6;
	s7 =	simm.s32 @p2 $0x1082  }
0x22: {  	[simem:s7], [sflag:s8] =	dma.local @!p0 [hbm:s6], $0xF7A  }
0x23: {  	s9 =	sor.u32 $0xD0000000, s2;
	s6 =	simm.s32 $0x108;
	_ =	swait.ge @!p0 [sflag:s8], $0x0  }
0x24: {  	s3 =	sadd.s32 $0x88, s3;
	s6 =	simm.s32 @!p1 $0x1082;
	[sflag:s4] =	ssyncset.s32 $0xFFFFF086  }
0x25: {  	[simem:s6], [sflag:s4] =	dma.local [hbm:s3], $0xF7A  }
0x26: {  	[smem:$0x3F9D] =	sst s1;
	(tag) =	ssettag s2;
	_ =	strace s9  }
0x27: {  	s1 =	sld [smem:$0x3FAD]  }
0x28: {  	s2 =	sld [smem:$0x3FAE]  }
0x29: {  	s4 =	sld [smem:$0x3FB0]  }
0x2a: {  	p0 =	seq.s32 s5, $0x0;
	s5 =	sld [smem:$0x3FB1]  }
0x2b: {  	s6 =	sld [smem:$0x3FB2]  }
0x2c: {  	s7 =	sld [smem:$0x3FB3]  }
0x2d: {  	s3 =	simm.s32 $0x108;
	s8 =	sld [smem:$0x3FB4]  }
0x2e: {  	s3 =	simm.s32 @!p0 $0x1082;
	s9 =	sld [smem:$0x3FB5]  }
0x2f: {  	lr =	sadd.s32 s0, s3;
	s0 =	sld [smem:$0x3FAC]  }
0x30: {  	s3 =	sld [smem:$0x3FAF]  }
0x31: {  	[smem:$0x3FB8] =	sst s10  }
0x32: {  	s10 =	sld [smem:$0x3FB6];
	_ =	sdelay $0x3  }
0x33: {  	p0 =	seq.s32 s10, $0x1;
	s10 =	sld [smem:$0x3FB8];
	_ =	sdelay $0x3  }
0x34: {  	[smem:$0x3FB8] =	sst s10  }
0x35: {  	s10 =	sld [smem:$0x3FB7];
	_ =	sdelay $0x3  }
0x36: {  	p1 =	seq.s32 s10, $0x1;
	s10 =	sld [smem:$0x3FB8];
	_ =	sdelay $0x3  }
0x37: {  	[smem:$0x3FB8] =	sst s10  }
0x38: {  	s10 =	sld [smem:$0x3FB9]  }
0x39: {  	_ = 	snop;
	(pc) =	sbr.ind lr, $3  }
0x3a: {  	_ = 	snop  }
0x3b: {  	_ = 	snop  }
0x3c: {  	p2 =	seq.s32 s10, $0x1;
	s10 =	sld [smem:$0x3FB8]  }
0x3d: {  	_ =	shalt  }
0x3e: {  	_ =	shalt  }
0x3f: {  	_ =	shalt  }
0x40: {  	_ =	shalt  }
0x41: {  	_ =	shalt  }
0x42: {  	_ =	shalt  }
0x43: {  	_ =	shalt  }
0x44: {  	_ =	shalt  }
0x45: {  	_ =	shalt  }
0x46: {  	_ =	shalt  }
0x47: {  	_ =	shalt  }
0x48: {  	_ =	shalt  }
0x49: {  	_ =	shalt  }
0x4a: {  	_ =	shalt  }
0x4b: {  	_ =	shalt  }
0x4c: {  	_ =	shalt  }
0x4d: {  	_ =	shalt  }
0x4e: {  	_ =	shalt  }
0x4f: {  	_ =	shalt  }
0x50: {  	_ =	shalt  }
0x51: {  	_ =	shalt  }
0x52: {  	_ =	shalt  }
0x53: {  	_ =	shalt  }
0x54: {  	_ =	shalt  }
0x55: {  	_ =	shalt  }
0x56: {  	_ =	shalt  }
0x57: {  	_ =	shalt  }
0x58: {  	_ =	shalt  }
0x59: {  	_ =	shalt  }
0x5a: {  	_ =	shalt  }
0x5b: {  	_ =	shalt  }
0x5c: {  	_ =	shalt  }
0x5d: {  	_ =	shalt  }
0x5e: {  	_ =	shalt  }
0x5f: {  	_ =	shalt  }
0x60: {  	_ =	shalt  }
0x61: {  	_ =	shalt  }
0x62: {  	_ =	shalt  }
0x63: {  	_ =	shalt  }
0x64: {  	_ =	shalt  }
0x65: {  	_ =	shalt  }
0x66: {  	_ =	shalt  }
0x67: {  	_ =	shalt  }
0x68: {  	_ =	shalt  }
0x69: {  	_ =	shalt  }
0x6a: {  	_ =	shalt  }
0x6b: {  	_ =	shalt  }
0x6c: {  	_ =	shalt  }
0x6d: {  	_ =	shalt  }
0x6e: {  	_ =	shalt  }
0x6f: {  	_ =	shalt  }
0x70: {  	_ =	shalt  }
0x71: {  	_ =	shalt  }
0x72: {  	_ =	shalt  }
0x73: {  	_ =	shalt  }
0x74: {  	_ =	shalt  }
0x75: {  	_ =	shalt  }
0x76: {  	_ =	shalt  }
0x77: {  	_ =	shalt  }
0x78: {  	_ =	shalt  }
0x79: {  	_ =	shalt  }
0x7a: {  	_ =	shalt  }
0x7b: {  	_ =	shalt  }
0x7c: {  	_ =	shalt  }
0x7d: {  	_ =	shalt  }
0x7e: {  	_ =	shalt  }
0x7f: {  	_ =	shalt  }
0x80: {  	_ =	shalt  }
0x81: {  	_ =	shalt  }
0x82: {  	_ =	shalt  }
0x83: {  	_ =	shalt  }
0x84: {  	_ =	shalt  }
0x85: {  	_ =	shalt  }
0x86: {  	_ =	shalt  }
0x87: {  	_ =	shalt  }
.Lfunc_end0:
.L_simem_size_0:
called_computation_lowered:
.L_overlay_start_0:
0x88: {  	s2 =	sld [smem:$0x3FD9]  }
0x89: {  	s3 =	sld [smem:$0x3FFE];
	_ =	sdelay $0x1  }
0x8a: {  	s1 =	srdreg.scid  }
0x8b: {  	s0 =	sand.u32 $0x1, s1  }
0x8c: {  	s17 =	sshll.u32 s0, $0xA;
	s2 =	sadd.s32 s3, s2  }
0x8d: {  	s2 =	sadd.s32 s2, s17  }
0x8e: {  	[smem:$0x3FC4] =	sst s2  }
0x8f: {  	_ = 	snop  }
0x90: {  	s2 =	sld [smem:$0x3FC9]  }
0x91: {  	s18 =	sld [smem:$0x3FC8]  }
0x92: {  	s4 =	sld [smem:$0x3FD0];
	(tm) =	ssettm $0x1  }
0x93: {  	s5 =	sld [smem:$0x3FFB];
	_ =	sdelay $0x3  }
0x94: {  	_ =	strace s5  }
0x95: {  	s5 =	sld [smem:$0x3FFC];
	_ =	sdelay $0x3  }
0x96: {  	_ =	strace s5  }
0x97: {  	s5 =	sld [smem:$0x3FFD];
	_ =	sdelay $0x3  }
0x98: {  	_ =	strace s5  }
0x99: {  	_ =	strace $0x8FFFFFFF  }
0x9a: {  	s19 =	sld [smem:$0x3FDB];
	_ =	sdelay $0x1  }
0x9b: {  	s6 =	simm.s32 $_scs_section_size  }
0x9c: {  	s7 =	simm.s32 $_size__tile_overlayer_lowered;
	s8 =	simm.s32 $_tile_overlayer_lowered  }
0x9d: {  	s22 =	simm.s32 $0x1BFF;
	s21 =	sshll.u32 s8, $0x1;
	s5 =	sadd.s32 s6, s19  }
0x9e: {  	s9 =	simm.s32 $0x0;
	s20 =	sshll.u32 s7, $0x1;
	s7 =	sadd.s32 s21, s5  }
0x9f: {  	[timem:s9], [sflag:s22] =	dma.local [hbm:s7], s20  }
0xa0: {  	_ =	swait.ge [sflag:s22], s20  }
0xa1: {  	s6 =	ssub.s32 $0x0, s20;
	[sflag:s22] =	ssyncset.done $0x0  }
0xa2: {  	[sflag:s22] =	ssyncadd.s32 s6;
	_ =	sdelay $0x1  }
0xa3: {  	s23 =	simm.s32 $0x1B8B  }
0xa4: {  	_ =	swait.ge [sflag:s23], $0x1  }
0xa5: {  	[sflag:s23] =	ssyncset.done $0x0  }
0xa6: {  	s25 =	simm.s32 $0x1B8E;
	s24 =	sld [smem:$0x3FFE];
	[sflag:s23] =	ssyncadd.s32 $0xFFFFFFFF  }
0xa7: {  	s26 =	simm.s32 $execute0_lowered;
	[smem:$0x3FD2] =	sst s25  }
0xa8: {  	s7 =	sshll.u32 s26, $0x1;
	_ =	strace $0x80000046;
	[dreg:$0x1] =	wrdreg $0xFFFFFFFF  }
0xa9: {  	s28 =	simm.s32 $_size_execute0_lowered;
	s5 =	sadd.s32 s5, s7;
	[dreg:$0x0] =	wrdreg $0x0  }
0xaa: {  	s7 =	sshll.u32 s28, $0x1;
	[dreg:$0x2] =	wrdreg s5  }
0xab: {  	[dreg:$0x3] =	wrdreg s7  }
0xac: {  	[dreg:$0x4] =	wrdreg $0xC0  }
0xad: {  	_ =	task [dreg:s9], $0x5FFFF  }
0xae: {  	[dreg:$0x1] =	wrdreg $0xFFFFFFFF  }
0xaf: {  	[dreg:$0x0] =	wrdreg $0x60  }
0xb0: {  	[dreg:$0x2] =	wrdreg s2  }
0xb1: {  	[dreg:$0x3] =	wrdreg s18  }
0xb2: {  	[dreg:$0x4] =	wrdreg s24  }
0xb3: {  	[dreg:$0x5] =	wrdreg s4  }
0xb4: {  	[dreg:$0x6] =	wrdreg $0x9  }
0xb5: {  	_ =	task.clear_ibuf [dreg:s9], $0x7FFFF;
	_ =	strace $0x90000046  }
0xb6: {  	s29 =	simm.s32 $0x9;
	_ =	strace $0x80000048  }
0xb7: {  	_ =	swait.ge [sflag:s29], $0x1  }
0xb8: {  	[sflag:s29] =	ssyncadd.s32 $0xFFFFFFFF  }
0xb9: {  	_ =	strace $0x90000048  }
0xba: {  	_ =	sfence  }
0xbb: {  	s30 =	sld [smem:$0x0];
	_ =	sdelay $0x2  }
0xbc: {  	s31 =	sshll.u32 s1, $0xD;
	s1 =	sshrl.u32 s1, $0x2  }
0xbd: {  	s3 =	sand.u32 $0x4000, s31;
	s1 =	sadd.s32 s1, s30  }
0xbe: {  	s0 =	sor.u32 s3, s0;
	s1 =	sshll.u32 s1, $0x11  }
0xbf: {  	s0 =	sor.u32 s1, s0  }
0xc0: {  	s0 =	sadd.s32 $0x8F2B, s0  }
0xc1: {  	[sflag:s0] =	ssyncadd.remote.s32 $0x1  }
0xc2: {  	_ =	sfence.sel $0xFFFF  }
0xc3: {  	[dreg:$0x0] =	wrdreg $0xFFFFFFFF;
	(pc) =	sbr.abs _section_cstart, $3  }
0xc4: {  	[dreg:$0x1] =	wrdreg $0xFFFFFFFF  }
0xc5: {  	_ =	task.clear_ibuf [dreg:s9], $0x2FFFF;
	_ =	strace $0x9FFFFFFF  }
0xc6: {  	(tm) =	ssettm $0x7FFFFFFF  }
0xc7: {  	_ =	shalt  }
tec
execute0_lowered:
.L_overlay_start_1:
0x0: {  	(tag) =	ssettag $0x1  }
0x1: {  	s5 =	rddreg [dreg:$0x0]  }
0x2: {  	s6 =	rddreg [dreg:$0x1]  }
0x3: {  	s4 =	rddreg [dreg:$0x2]  }
0x4: {  	s7 =	rddreg [dreg:$0x3]  }
0x5: {  	s0 =	rddreg [dreg:$0x4];
	s1 =	simm.s32 $0x0  }
0x6: {  	s8 =	srdreg.scid;
	s2 =	stileid.u32;
	s12 =	simm.s32 $0x400  }
0x7: {  	s13 =	simm.s32 $0x8400;
	s14 =	simm.s32 $0x2400;
	s15 =	simm.s32 $0x280  }
0x8: {  	s16 =	simm.s32 $0xA400;
	s17 =	simm.s32 $0x100;
	s18 =	simm.s32 $0x4400  }
0x9: {  	s19 =	simm.s32 $0x300;
	s20 =	simm.s32 $0xC400;
	s21 =	simm.s32 $0x180  }
0xa: {  	s22 =	simm.s32 $0x6400;
	s23 =	simm.s32 $0x380;
	s24 =	simm.s32 $0xE400  }
0xb: {  	s25 =	simm.s32 $0x1;
	s26 =	simm.s32 $0x10400;
	s28 =	simm.s32 $0x0  }
0xc: {  	[smem:$0x7FF] =	sst s1;
	s3 =	sadd.s32 $0xF42800, s4;
	s8 =	sand.u32 $0x1, s8  }
0xd: {  	s10 =	sshll.u32 s2, $0x7;
	s4 =	sadd.s32 $0x16E3A00, s4;
	s9 =	ssub.s32 $0x2, s8  }
0xe: {  	_ =	strace $0x80000047;
	s8 =	sshll.u32 s8, $0x6;
	s11 =	sshrl.u32 s9, $0x1  }
0xf: {  	v0 =	vlaneseq.u32;
	s8 =	sor.u32 s8, s10;
	s10 =	simm.s32 $0x200;
	s9 =	ssub.s32 s9, s11  }
0x10: {  	v0 =	vmul.u32 $0x40, v0;
	s5 =	sadd.s32 s5, s8;
	s6 =	sadd.s32 s6, s8;
	s7 =	sadd.s32 s7, s8  }
0x11: {  	s11 =	simm.s32 $0x80;
	s8 =	smax.u32 s9, $0x1;
	s9 =	simm.s32 $0x2  }
.LBB2_1:
0x12: {  	[tilespmem:s1], [sflag:$0x2] =	stream.linear.gather [hbm4b:s5+s1], $0x200, $0x38;
	[tilespmem:$0x10600] =	vst v63  }
0x13: {  	_ =	swait.ge [sflag:s9], $0x200  }
0x14: {  	[sflag:s9] =	ssyncset.done $0x0  }
0x15: {  	[sflag:s9] =	ssyncadd.s32 $0xFFFFFE00  }
0x16: {  	[tilespmem:s10], [sflag:$0x2] =	stream.linear.gather [hbm4b:s6+s1], $0x200, $0x38;
	[tilespmem:$0x10600] =	vst v63  }
0x17: {  	_ =	swait.ge [sflag:s9], $0x200  }
0x18: {  	[sflag:s9] =	ssyncset.done $0x0  }
0x19: {  	[sflag:s9] =	ssyncadd.s32 $0xFFFFFE00  }
0x1a: {  	[tilespmem:s12], [sflag:$0x1] =	stream.indirect.gather [hbm4b:s3+s11], $0x40, s1, s11, $0xb8;
	[tilespmem:$0x10600] =	vst v63  }
0x1b: {  	_ = 	snop  }
0x1c: {  	[tilespmem:s13], [sflag:$0x1] =	stream.indirect.gather [hbm4b:s4+s11], $0x40, s10, s11, $0xb8;
	[tilespmem:$0x10600] =	vst v63  }
0x1d: {  	_ = 	snop  }
0x1e: {  	[tilespmem:s14], [sflag:$0x1] =	stream.indirect.gather [hbm4b:s3+s11], $0x40, s11, s11, $0xb8;
	[tilespmem:$0x10600] =	vst v63  }
0x1f: {  	_ = 	snop  }
0x20: {  	[tilespmem:s16], [sflag:$0x1] =	stream.indirect.gather [hbm4b:s4+s11], $0x40, s15, s11, $0xb8;
	[tilespmem:$0x10600] =	vst v63  }
0x21: {  	_ = 	snop  }
0x22: {  	[tilespmem:s18], [sflag:$0x1] =	stream.indirect.gather [hbm4b:s3+s11], $0x40, s17, s11, $0xb8;
	[tilespmem:$0x10600] =	vst v63  }
0x23: {  	_ = 	snop  }
0x24: {  	[tilespmem:s20], [sflag:$0x1] =	stream.indirect.gather [hbm4b:s4+s11], $0x40, s19, s11, $0xb8;
	[tilespmem:$0x10600] =	vst v63  }
0x25: {  	_ = 	snop  }
0x26: {  	[tilespmem:s22], [sflag:$0x1] =	stream.indirect.gather [hbm4b:s3+s11], $0x40, s21, s11, $0xb8;
	[tilespmem:$0x10600] =	vst v63  }
0x27: {  	_ = 	snop  }
0x28: {  	[tilespmem:s24], [sflag:$0x1] =	stream.indirect.gather [hbm4b:s4+s11], $0x40, s23, s11, $0xb8;
	[tilespmem:$0x10600] =	vst v63  }
0x29: {  	_ =	swait.ge [sflag:s25], $0x2000  }
0x2a: {  	[sflag:s25] =	ssyncset.done $0x0  }
0x2b: {  	[sflag:s25] =	ssyncadd.s32 $0xFFFFE000  }
0x2c: {  	_ =	swait.ge [sflag:s25], $0x2000  }
0x2d: {  	[sflag:s25] =	ssyncset.done $0x0  }
0x2e: {  	[sflag:s25] =	ssyncadd.s32 $0xFFFFE000  }
0x2f: {  	_ =	swait.ge [sflag:s25], $0x2000  }
0x30: {  	[sflag:s25] =	ssyncset.done $0x0  }
0x31: {  	[sflag:s25] =	ssyncadd.s32 $0xFFFFE000  }
0x32: {  	_ =	swait.ge [sflag:s25], $0x2000  }
0x33: {  	[sflag:s25] =	ssyncset.done $0x0  }
0x34: {  	[sflag:s25] =	ssyncadd.s32 $0xFFFFE000  }
0x35: {  	_ =	swait.ge [sflag:s25], $0x2000  }
0x36: {  	[sflag:s25] =	ssyncset.done $0x0  }
0x37: {  	[sflag:s25] =	ssyncadd.s32 $0xFFFFE000  }
0x38: {  	_ =	swait.ge [sflag:s25], $0x2000  }
0x39: {  	[sflag:s25] =	ssyncset.done $0x0  }
0x3a: {  	v1 =	vmov s1;
	[sflag:s25] =	ssyncadd.s32 $0xFFFFE000  }
0x3b: {  	v1 =	vshll.u32 v1, $0x6;
	_ =	swait.ge [sflag:s25], $0x2000  }
0x3c: {  	v1 =	vor.u32 v0, v1;
	[sflag:s25] =	ssyncset.done $0x0  }
0x3d: {  	[sflag:s25] =	ssyncadd.s32 $0xFFFFE000  }
0x3e: {  	v2 =	vor.u32 $0x1, v1;
	_ =	swait.ge [sflag:s25], $0x2000  }
0x3f: {  	[sflag:s25] =	ssyncset.done $0x0  }
0x40: {  	v3 =	vor.u32 $0x2, v1;
	[sflag:s25] =	ssyncadd.s32 $0xFFFFE000  }
0x41: {  	v4 =	vld.idx.msk [tilespmem:v1+s13+$0x0], $0xffff  }
0x42: {  	v6 =	vor.u32 $0x3, v1;
	v5 =	vld.idx.msk [tilespmem:v1+s12+$0x0], $0xffff  }
0x43: {  	v7 =	vld.idx.msk [tilespmem:v2+s12+$0x0], $0xffff  }
0x44: {  	v8 =	vor.u32 $0x4, v1;
	v2 =	vld.idx.msk [tilespmem:v2+s13+$0x0], $0xffff  }
0x45: {  	v9 =	vld.idx.msk [tilespmem:v3+s12+$0x0], $0xffff  }
0x46: {  	v10 =	vor.u32 $0x5, v1;
	v3 =	vld.idx.msk [tilespmem:v3+s13+$0x0], $0xffff  }
0x47: {  	v11 =	vld.idx.msk [tilespmem:v6+s12+$0x0], $0xffff;
	v4 =	vmul.f32 v4, v5  }
0x48: {  	v5 =	vld.idx.msk [tilespmem:v6+s13+$0x0], $0xffff;
	v6 =	vor.u32 $0x6, v1  }
0x49: {  	v12 =	vld.idx.msk [tilespmem:v8+s12+$0x0], $0xffff;
	v2 =	vmul.f32 v2, v7;
	v4 =	vadd.f32 $0.0e+00, v4  }
0x4a: {  	v61 =	vor.u32 $0x7, v1;
	v7 =	vld.idx.msk [tilespmem:v8+s13+$0x0], $0xffff  }
0x4b: {  	v13 =	vld.idx.msk [tilespmem:v10+s12+$0x0], $0xffff;
	v3 =	vmul.f32 v3, v9;
	v2 =	vadd.f32 v2, v4  }
0x4c: {  	v62 =	vor.u32 $0x8, v1;
	v4 =	vld.idx.msk [tilespmem:v10+s13+$0x0], $0xffff  }
0x4d: {  	v63 =	vld.idx.msk [tilespmem:v6+s12+$0x0], $0xffff;
	v2 =	vadd.f32 v3, v2;
	v3 =	vmul.f32 v5, v11  }
0x4e: {  	v5 =	vld.idx.msk [tilespmem:v6+s13+$0x0], $0xffff;
	v6 =	vor.u32 $0x9, v1  }
0x4f: {  	v16 =	vld.idx.msk [tilespmem:v61+s12+$0x0], $0xffff;
	v2 =	vadd.f32 v3, v2;
	v3 =	vmul.f32 v7, v12  }
0x50: {  	v17 =	vor.u32 $0xA, v1;
	v7 =	vld.idx.msk [tilespmem:v61+s13+$0x0], $0xffff  }
0x51: {  	v18 =	vld.idx.msk [tilespmem:v62+s12+$0x0], $0xffff;
	v2 =	vadd.f32 v3, v2;
	v3 =	vmul.f32 v4, v13  }
0x52: {  	v19 =	vor.u32 $0xB, v1;
	v4 =	vld.idx.msk [tilespmem:v62+s13+$0x0], $0xffff  }
0x53: {  	v20 =	vld.idx.msk [tilespmem:v6+s12+$0x0], $0xffff;
	v2 =	vadd.f32 v3, v2;
	v3 =	vmul.f32 v5, v63  }
0x54: {  	v5 =	vld.idx.msk [tilespmem:v6+s13+$0x0], $0xffff;
	v6 =	vor.u32 $0xC, v1  }
0x55: {  	v21 =	vld.idx.msk [tilespmem:v17+s12+$0x0], $0xffff;
	v2 =	vadd.f32 v3, v2;
	v3 =	vmul.f32 v7, v16  }
0x56: {  	v22 =	vor.u32 $0xD, v1;
	v7 =	vld.idx.msk [tilespmem:v17+s13+$0x0], $0xffff  }
0x57: {  	v23 =	vld.idx.msk [tilespmem:v19+s12+$0x0], $0xffff;
	v2 =	vadd.f32 v3, v2;
	v3 =	vmul.f32 v4, v18  }
0x58: {  	v24 =	vor.u32 $0xE, v1;
	v4 =	vld.idx.msk [tilespmem:v19+s13+$0x0], $0xffff  }
0x59: {  	v25 =	vld.idx.msk [tilespmem:v6+s12+$0x0], $0xffff;
	v2 =	vadd.f32 v3, v2;
	v3 =	vmul.f32 v5, v20  }
0x5a: {  	v5 =	vld.idx.msk [tilespmem:v6+s13+$0x0], $0xffff;
	v6 =	vor.u32 $0xF, v1  }
0x5b: {  	v26 =	vld.idx.msk [tilespmem:v22+s12+$0x0], $0xffff;
	v2 =	vadd.f32 v3, v2;
	v3 =	vmul.f32 v7, v21  }
0x5c: {  	v27 =	vor.u32 $0x10, v1;
	v7 =	vld.idx.msk [tilespmem:v22+s13+$0x0], $0xffff  }
0x5d: {  	v28 =	vld.idx.msk [tilespmem:v24+s12+$0x0], $0xffff;
	v2 =	vadd.f32 v3, v2;
	v3 =	vmul.f32 v4, v23  }
0x5e: {  	v29 =	vor.u32 $0x11, v1;
	v4 =	vld.idx.msk [tilespmem:v24+s13+$0x0], $0xffff  }
0x5f: {  	v30 =	vld.idx.msk [tilespmem:v6+s12+$0x0], $0xffff;
	v2 =	vadd.f32 v3, v2;
	v3 =	vmul.f32 v5, v25  }
0x60: {  	v5 =	vld.idx.msk [tilespmem:v6+s13+$0x0], $0xffff;
	v6 =	vor.u32 $0x12, v1  }
0x61: {  	v31 =	vld.idx.msk [tilespmem:v27+s12+$0x0], $0xffff;
	v2 =	vadd.f32 v3, v2;
	v3 =	vmul.f32 v7, v26  }
0x62: {  	v32 =	vor.u32 $0x13, v1;
	v7 =	vld.idx.msk [tilespmem:v27+s13+$0x0], $0xffff  }
0x63: {  	v33 =	vld.idx.msk [tilespmem:v29+s12+$0x0], $0xffff;
	v2 =	vadd.f32 v3, v2;
	v3 =	vmul.f32 v4, v28  }
0x64: {  	v34 =	vor.u32 $0x14, v1;
	v4 =	vld.idx.msk [tilespmem:v29+s13+$0x0], $0xffff  }
0x65: {  	v35 =	vld.idx.msk [tilespmem:v6+s12+$0x0], $0xffff;
	v2 =	vadd.f32 v3, v2;
	v3 =	vmul.f32 v5, v30  }
0x66: {  	v5 =	vld.idx.msk [tilespmem:v6+s13+$0x0], $0xffff;
	v6 =	vor.u32 $0x15, v1  }
0x67: {  	v36 =	vld.idx.msk [tilespmem:v32+s12+$0x0], $0xffff;
	v2 =	vadd.f32 v3, v2;
	v3 =	vmul.f32 v7, v31  }
0x68: {  	v37 =	vor.u32 $0x16, v1;
	v7 =	vld.idx.msk [tilespmem:v32+s13+$0x0], $0xffff  }
0x69: {  	v38 =	vld.idx.msk [tilespmem:v34+s12+$0x0], $0xffff;
	v2 =	vadd.f32 v3, v2;
	v3 =	vmul.f32 v4, v33  }
0x6a: {  	v39 =	vor.u32 $0x17, v1;
	v4 =	vld.idx.msk [tilespmem:v34+s13+$0x0], $0xffff  }
0x6b: {  	v40 =	vld.idx.msk [tilespmem:v6+s12+$0x0], $0xffff;
	v2 =	vadd.f32 v3, v2;
	v3 =	vmul.f32 v5, v35  }
0x6c: {  	v5 =	vld.idx.msk [tilespmem:v6+s13+$0x0], $0xffff;
	v6 =	vor.u32 $0x18, v1  }
0x6d: {  	v41 =	vld.idx.msk [tilespmem:v37+s12+$0x0], $0xffff;
	v2 =	vadd.f32 v3, v2;
	v3 =	vmul.f32 v7, v36  }
0x6e: {  	v42 =	vor.u32 $0x19, v1;
	v7 =	vld.idx.msk [tilespmem:v37+s13+$0x0], $0xffff  }
0x6f: {  	v43 =	vld.idx.msk [tilespmem:v39+s12+$0x0], $0xffff;
	v2 =	vadd.f32 v3, v2;
	v3 =	vmul.f32 v4, v38  }
0x70: {  	v44 =	vor.u32 $0x1A, v1;
	v4 =	vld.idx.msk [tilespmem:v39+s13+$0x0], $0xffff  }
0x71: {  	v45 =	vld.idx.msk [tilespmem:v6+s12+$0x0], $0xffff;
	v2 =	vadd.f32 v3, v2;
	v3 =	vmul.f32 v5, v40  }
0x72: {  	v5 =	vld.idx.msk [tilespmem:v6+s13+$0x0], $0xffff;
	v6 =	vor.u32 $0x1B, v1  }
0x73: {  	v46 =	vld.idx.msk [tilespmem:v42+s12+$0x0], $0xffff;
	v2 =	vadd.f32 v3, v2;
	v3 =	vmul.f32 v7, v41  }
0x74: {  	v47 =	vor.u32 $0x1C, v1;
	v7 =	vld.idx.msk [tilespmem:v42+s13+$0x0], $0xffff  }
0x75: {  	v48 =	vld.idx.msk [tilespmem:v44+s12+$0x0], $0xffff;
	v2 =	vadd.f32 v3, v2;
	v3 =	vmul.f32 v4, v43  }
0x76: {  	v49 =	vor.u32 $0x1D, v1;
	v4 =	vld.idx.msk [tilespmem:v44+s13+$0x0], $0xffff  }
0x77: {  	v50 =	vld.idx.msk [tilespmem:v6+s12+$0x0], $0xffff;
	v2 =	vadd.f32 v3, v2;
	v3 =	vmul.f32 v5, v45  }
0x78: {  	v5 =	vld.idx.msk [tilespmem:v6+s13+$0x0], $0xffff;
	v6 =	vor.u32 $0x1E, v1  }
0x79: {  	v51 =	vld.idx.msk [tilespmem:v47+s12+$0x0], $0xffff;
	v2 =	vadd.f32 v3, v2;
	v3 =	vmul.f32 v7, v46  }
0x7a: {  	v52 =	vor.u32 $0x1F, v1;
	v7 =	vld.idx.msk [tilespmem:v47+s13+$0x0], $0xffff  }
0x7b: {  	v53 =	vld.idx.msk [tilespmem:v49+s12+$0x0], $0xffff;
	v2 =	vadd.f32 v3, v2;
	v3 =	vmul.f32 v4, v48  }
0x7c: {  	v54 =	vor.u32 $0x20, v1;
	v4 =	vld.idx.msk [tilespmem:v49+s13+$0x0], $0xffff  }
0x7d: {  	v55 =	vld.idx.msk [tilespmem:v6+s12+$0x0], $0xffff;
	v2 =	vadd.f32 v3, v2;
	v3 =	vmul.f32 v5, v50  }
0x7e: {  	v5 =	vld.idx.msk [tilespmem:v6+s13+$0x0], $0xffff;
	v6 =	vor.u32 $0x21, v1  }
0x7f: {  	v56 =	vld.idx.msk [tilespmem:v52+s12+$0x0], $0xffff;
	v2 =	vadd.f32 v3, v2;
	v3 =	vmul.f32 v7, v51  }
0x80: {  	v57 =	vor.u32 $0x22, v1;
	v7 =	vld.idx.msk [tilespmem:v52+s13+$0x0], $0xffff  }
0x81: {  	v58 =	vld.idx.msk [tilespmem:v54+s12+$0x0], $0xffff;
	v2 =	vadd.f32 v3, v2;
	v3 =	vmul.f32 v4, v53  }
0x82: {  	v59 =	vor.u32 $0x23, v1;
	v4 =	vld.idx.msk [tilespmem:v54+s13+$0x0], $0xffff  }
0x83: {  	v60 =	vld.idx.msk [tilespmem:v6+s12+$0x0], $0xffff;
	v2 =	vadd.f32 v3, v2;
	v3 =	vmul.f32 v5, v55  }
0x84: {  	v5 =	vld.idx.msk [tilespmem:v6+s13+$0x0], $0xffff;
	v6 =	vor.u32 $0x24, v1  }
0x85: {  	v61 =	vld.idx.msk [tilespmem:v57+s12+$0x0], $0xffff;
	v2 =	vadd.f32 v3, v2;
	v3 =	vmul.f32 v7, v56  }
0x86: {  	v62 =	vor.u32 $0x25, v1;
	v7 =	vld.idx.msk [tilespmem:v57+s13+$0x0], $0xffff  }
0x87: {  	v63 =	vld.idx.msk [tilespmem:v59+s12+$0x0], $0xffff;
	v2 =	vadd.f32 v3, v2;
	v3 =	vmul.f32 v4, v58  }
0x88: {  	v16 =	vor.u32 $0x26, v1;
	v4 =	vld.idx.msk [tilespmem:v59+s13+$0x0], $0xffff  }
0x89: {  	v17 =	vld.idx.msk [tilespmem:v6+s12+$0x0], $0xffff;
	v2 =	vadd.f32 v3, v2;
	v3 =	vmul.f32 v5, v60  }
0x8a: {  	v5 =	vld.idx.msk [tilespmem:v6+s13+$0x0], $0xffff;
	v6 =	vor.u32 $0x27, v1  }
0x8b: {  	v18 =	vld.idx.msk [tilespmem:v62+s12+$0x0], $0xffff;
	v2 =	vadd.f32 v3, v2;
	v3 =	vmul.f32 v7, v61  }
0x8c: {  	v19 =	vor.u32 $0x28, v1;
	v7 =	vld.idx.msk [tilespmem:v62+s13+$0x0], $0xffff  }
0x8d: {  	v20 =	vld.idx.msk [tilespmem:v16+s12+$0x0], $0xffff;
	v2 =	vadd.f32 v3, v2;
	v3 =	vmul.f32 v4, v63  }
0x8e: {  	v21 =	vor.u32 $0x29, v1;
	v4 =	vld.idx.msk [tilespmem:v16+s13+$0x0], $0xffff  }
0x8f: {  	v22 =	vld.idx.msk [tilespmem:v6+s12+$0x0], $0xffff;
	v2 =	vadd.f32 v3, v2;
	v3 =	vmul.f32 v5, v17  }
0x90: {  	v5 =	vld.idx.msk [tilespmem:v6+s13+$0x0], $0xffff;
	v6 =	vor.u32 $0x2A, v1  }
0x91: {  	v23 =	vld.idx.msk [tilespmem:v19+s12+$0x0], $0xffff;
	v2 =	vadd.f32 v3, v2;
	v3 =	vmul.f32 v7, v18  }
0x92: {  	v24 =	vor.u32 $0x2B, v1;
	v7 =	vld.idx.msk [tilespmem:v19+s13+$0x0], $0xffff  }
0x93: {  	v25 =	vld.idx.msk [tilespmem:v21+s12+$0x0], $0xffff;
	v2 =	vadd.f32 v3, v2;
	v3 =	vmul.f32 v4, v20  }
0x94: {  	v26 =	vor.u32 $0x2C, v1;
	v4 =	vld.idx.msk [tilespmem:v21+s13+$0x0], $0xffff  }
0x95: {  	v27 =	vld.idx.msk [tilespmem:v6+s12+$0x0], $0xffff;
	v2 =	vadd.f32 v3, v2;
	v3 =	vmul.f32 v5, v22  }
0x96: {  	v5 =	vld.idx.msk [tilespmem:v6+s13+$0x0], $0xffff;
	v6 =	vor.u32 $0x2D, v1  }
0x97: {  	v28 =	vld.idx.msk [tilespmem:v24+s12+$0x0], $0xffff;
	v2 =	vadd.f32 v3, v2;
	v3 =	vmul.f32 v7, v23  }
0x98: {  	v29 =	vor.u32 $0x2E, v1;
	v7 =	vld.idx.msk [tilespmem:v24+s13+$0x0], $0xffff  }
0x99: {  	v30 =	vld.idx.msk [tilespmem:v26+s12+$0x0], $0xffff;
	v2 =	vadd.f32 v3, v2;
	v3 =	vmul.f32 v4, v25  }
0x9a: {  	v31 =	vor.u32 $0x2F, v1;
	v4 =	vld.idx.msk [tilespmem:v26+s13+$0x0], $0xffff  }
0x9b: {  	v32 =	vld.idx.msk [tilespmem:v6+s12+$0x0], $0xffff;
	v2 =	vadd.f32 v3, v2;
	v3 =	vmul.f32 v5, v27  }
0x9c: {  	v5 =	vld.idx.msk [tilespmem:v6+s13+$0x0], $0xffff;
	v6 =	vor.u32 $0x30, v1  }
0x9d: {  	v33 =	vld.idx.msk [tilespmem:v29+s12+$0x0], $0xffff;
	v2 =	vadd.f32 v3, v2;
	v3 =	vmul.f32 v7, v28  }
0x9e: {  	v34 =	vor.u32 $0x31, v1;
	v7 =	vld.idx.msk [tilespmem:v29+s13+$0x0], $0xffff  }
0x9f: {  	v35 =	vld.idx.msk [tilespmem:v31+s12+$0x0], $0xffff;
	v2 =	vadd.f32 v3, v2;
	v3 =	vmul.f32 v4, v30  }
0xa0: {  	v36 =	vor.u32 $0x32, v1;
	v4 =	vld.idx.msk [tilespmem:v31+s13+$0x0], $0xffff  }
0xa1: {  	v37 =	vld.idx.msk [tilespmem:v6+s12+$0x0], $0xffff;
	v2 =	vadd.f32 v3, v2;
	v3 =	vmul.f32 v5, v32  }
0xa2: {  	v5 =	vld.idx.msk [tilespmem:v6+s13+$0x0], $0xffff;
	v6 =	vor.u32 $0x33, v1  }
0xa3: {  	v38 =	vld.idx.msk [tilespmem:v34+s12+$0x0], $0xffff;
	v2 =	vadd.f32 v3, v2;
	v3 =	vmul.f32 v7, v33  }
0xa4: {  	v39 =	vor.u32 $0x34, v1;
	v7 =	vld.idx.msk [tilespmem:v34+s13+$0x0], $0xffff  }
0xa5: {  	v40 =	vld.idx.msk [tilespmem:v36+s12+$0x0], $0xffff;
	v2 =	vadd.f32 v3, v2;
	v3 =	vmul.f32 v4, v35  }
0xa6: {  	v41 =	vor.u32 $0x35, v1;
	v4 =	vld.idx.msk [tilespmem:v36+s13+$0x0], $0xffff  }
0xa7: {  	v42 =	vld.idx.msk [tilespmem:v6+s12+$0x0], $0xffff;
	v2 =	vadd.f32 v3, v2;
	v3 =	vmul.f32 v5, v37  }
0xa8: {  	v5 =	vld.idx.msk [tilespmem:v6+s13+$0x0], $0xffff;
	v6 =	vor.u32 $0x36, v1  }
0xa9: {  	v43 =	vld.idx.msk [tilespmem:v39+s12+$0x0], $0xffff;
	v2 =	vadd.f32 v3, v2;
	v3 =	vmul.f32 v7, v38  }
0xaa: {  	v44 =	vor.u32 $0x37, v1;
	v7 =	vld.idx.msk [tilespmem:v39+s13+$0x0], $0xffff  }
0xab: {  	v45 =	vld.idx.msk [tilespmem:v41+s12+$0x0], $0xffff;
	v2 =	vadd.f32 v3, v2;
	v3 =	vmul.f32 v4, v40  }
0xac: {  	v46 =	vor.u32 $0x38, v1;
	v4 =	vld.idx.msk [tilespmem:v41+s13+$0x0], $0xffff  }
0xad: {  	v47 =	vld.idx.msk [tilespmem:v6+s12+$0x0], $0xffff;
	v2 =	vadd.f32 v3, v2;
	v3 =	vmul.f32 v5, v42  }
0xae: {  	v5 =	vld.idx.msk [tilespmem:v6+s13+$0x0], $0xffff;
	v6 =	vor.u32 $0x39, v1  }
0xaf: {  	v48 =	vld.idx.msk [tilespmem:v44+s12+$0x0], $0xffff;
	v2 =	vadd.f32 v3, v2;
	v3 =	vmul.f32 v7, v43  }
0xb0: {  	v49 =	vor.u32 $0x3A, v1;
	v7 =	vld.idx.msk [tilespmem:v44+s13+$0x0], $0xffff  }
0xb1: {  	v50 =	vld.idx.msk [tilespmem:v46+s12+$0x0], $0xffff;
	v2 =	vadd.f32 v3, v2;
	v3 =	vmul.f32 v4, v45  }
0xb2: {  	v51 =	vor.u32 $0x3B, v1;
	v4 =	vld.idx.msk [tilespmem:v46+s13+$0x0], $0xffff  }
0xb3: {  	v52 =	vld.idx.msk [tilespmem:v6+s12+$0x0], $0xffff;
	v2 =	vadd.f32 v3, v2;
	v3 =	vmul.f32 v5, v47  }
0xb4: {  	v5 =	vld.idx.msk [tilespmem:v6+s13+$0x0], $0xffff;
	v6 =	vor.u32 $0x3C, v1  }
0xb5: {  	v53 =	vld.idx.msk [tilespmem:v49+s12+$0x0], $0xffff;
	v2 =	vadd.f32 v3, v2;
	v3 =	vmul.f32 v7, v48  }
0xb6: {  	v54 =	vor.u32 $0x3D, v1;
	v7 =	vld.idx.msk [tilespmem:v49+s13+$0x0], $0xffff  }
0xb7: {  	v55 =	vld.idx.msk [tilespmem:v51+s12+$0x0], $0xffff;
	v2 =	vadd.f32 v3, v2;
	v3 =	vmul.f32 v4, v50  }
0xb8: {  	v56 =	vor.u32 $0x3E, v1;
	v4 =	vld.idx.msk [tilespmem:v51+s13+$0x0], $0xffff  }
0xb9: {  	v57 =	vld.idx.msk [tilespmem:v6+s12+$0x0], $0xffff;
	v2 =	vadd.f32 v3, v2;
	v3 =	vmul.f32 v5, v52  }
0xba: {  	v1 =	vor.u32 $0x3F, v1;
	v5 =	vld.idx.msk [tilespmem:v6+s13+$0x0], $0xffff  }
0xbb: {  	v6 =	vld.idx.msk [tilespmem:v54+s12+$0x0], $0xffff;
	v2 =	vadd.f32 v3, v2;
	v3 =	vmul.f32 v7, v53  }
0xbc: {  	v7 =	vld.idx.msk [tilespmem:v54+s13+$0x0], $0xffff  }
0xbd: {  	v58 =	vld.idx.msk [tilespmem:v56+s12+$0x0], $0xffff;
	v2 =	vadd.f32 v3, v2;
	v3 =	vmul.f32 v4, v55  }
0xbe: {  	v4 =	vld.idx.msk [tilespmem:v56+s13+$0x0], $0xffff  }
0xbf: {  	v59 =	vld.idx.msk [tilespmem:v1+s12+$0x0], $0xffff;
	v2 =	vadd.f32 v3, v2;
	v3 =	vmul.f32 v5, v57  }
0xc0: {  	v5 =	vld.idx.msk [tilespmem:v1+s13+$0x0], $0xffff  }
0xc1: {  	v1 =	vadd.f32 v3, v2;
	v2 =	vmul.f32 v7, v6  }
0xc2: {  	s29 =	simm.s32 $0x10  }
0xc3: {  	v3 =	vmov s29;
	v4 =	vmul.f32 v4, v58;
	v2 =	vadd.f32 v2, v1  }
0xc4: {  	v1 =	vshll.u32 v3, $0x6  }
0xc5: {  	v1 =	vor.u32 v0, v1;
	v3 =	vmul.f32 v5, v59;
	v2 =	vadd.f32 v4, v2;
	_ =	sdelay $0x1  }
0xc6: {  	v4 =	vor.u32 $0x1, v1;
	v2 =	vadd.f32 v3, v2;
	_ =	sdelay $0x1  }
0xc7: {  	v3 =	vor.u32 $0x2, v1;
	[tilespmem:s26+$0x0] =	vst v2  }
0xc8: {  	v2 =	vld.idx.msk [tilespmem:v1+s13+$0x0], $0xffff  }
0xc9: {  	v6 =	vor.u32 $0x3, v1;
	v5 =	vld.idx.msk [tilespmem:v1+s12+$0x0], $0xffff  }
0xca: {  	v7 =	vld.idx.msk [tilespmem:v4+s12+$0x0], $0xffff  }
0xcb: {  	v60 =	vor.u32 $0x4, v1;
	v4 =	vld.idx.msk [tilespmem:v4+s13+$0x0], $0xffff  }
0xcc: {  	v61 =	vld.idx.msk [tilespmem:v3+s12+$0x0], $0xffff  }
0xcd: {  	v62 =	vor.u32 $0x5, v1;
	v3 =	vld.idx.msk [tilespmem:v3+s13+$0x0], $0xffff  }
0xce: {  	v63 =	vld.idx.msk [tilespmem:v6+s12+$0x0], $0xffff;
	v2 =	vmul.f32 v2, v5  }
0xcf: {  	v5 =	vld.idx.msk [tilespmem:v6+s13+$0x0], $0xffff;
	v6 =	vor.u32 $0x6, v1  }
0xd0: {  	v16 =	vld.idx.msk [tilespmem:v60+s12+$0x0], $0xffff;
	v4 =	vmul.f32 v4, v7;
	v2 =	vadd.f32 $0.0e+00, v2  }
0xd1: {  	v17 =	vor.u32 $0x7, v1;
	v7 =	vld.idx.msk [tilespmem:v60+s13+$0x0], $0xffff  }
0xd2: {  	v18 =	vld.idx.msk [tilespmem:v62+s12+$0x0], $0xffff;
	v3 =	vmul.f32 v3, v61;
	v2 =	vadd.f32 v4, v2  }
0xd3: {  	v19 =	vor.u32 $0x8, v1;
	v4 =	vld.idx.msk [tilespmem:v62+s13+$0x0], $0xffff  }
0xd4: {  	v20 =	vld.idx.msk [tilespmem:v6+s12+$0x0], $0xffff;
	v2 =	vadd.f32 v3, v2;
	v3 =	vmul.f32 v5, v63  }
0xd5: {  	v5 =	vld.idx.msk [tilespmem:v6+s13+$0x0], $0xffff;
	v6 =	vor.u32 $0x9, v1  }
0xd6: {  	v21 =	vld.idx.msk [tilespmem:v17+s12+$0x0], $0xffff;
	v2 =	vadd.f32 v3, v2;
	v3 =	vmul.f32 v7, v16  }
0xd7: {  	v22 =	vor.u32 $0xA, v1;
	v7 =	vld.idx.msk [tilespmem:v17+s13+$0x0], $0xffff  }
0xd8: {  	v23 =	vld.idx.msk [tilespmem:v19+s12+$0x0], $0xffff;
	v2 =	vadd.f32 v3, v2;
	v3 =	vmul.f32 v4, v18  }
0xd9: {  	v24 =	vor.u32 $0xB, v1;
	v4 =	vld.idx.msk [tilespmem:v19+s13+$0x0], $0xffff  }
0xda: {  	v25 =	vld.idx.msk [tilespmem:v6+s12+$0x0], $0xffff;
	v2 =	vadd.f32 v3, v2;
	v3 =	vmul.f32 v5, v20  }
0xdb: {  	v5 =	vld.idx.msk [tilespmem:v6+s13+$0x0], $0xffff;
	v6 =	vor.u32 $0xC, v1  }
0xdc: {  	v26 =	vld.idx.msk [tilespmem:v22+s12+$0x0], $0xffff;
	v2 =	vadd.f32 v3, v2;
	v3 =	vmul.f32 v7, v21  }
0xdd: {  	v27 =	vor.u32 $0xD, v1;
	v7 =	vld.idx.msk [tilespmem:v22+s13+$0x0], $0xffff  }
0xde: {  	v28 =	vld.idx.msk [tilespmem:v24+s12+$0x0], $0xffff;
	v2 =	vadd.f32 v3, v2;
	v3 =	vmul.f32 v4, v23  }
0xdf: {  	v29 =	vor.u32 $0xE, v1;
	v4 =	vld.idx.msk [tilespmem:v24+s13+$0x0], $0xffff  }
0xe0: {  	v30 =	vld.idx.msk [tilespmem:v6+s12+$0x0], $0xffff;
	v2 =	vadd.f32 v3, v2;
	v3 =	vmul.f32 v5, v25  }
0xe1: {  	v5 =	vld.idx.msk [tilespmem:v6+s13+$0x0], $0xffff;
	v6 =	vor.u32 $0xF, v1  }
0xe2: {  	v31 =	vld.idx.msk [tilespmem:v27+s12+$0x0], $0xffff;
	v2 =	vadd.f32 v3, v2;
	v3 =	vmul.f32 v7, v26  }
0xe3: {  	v32 =	vor.u32 $0x10, v1;
	v7 =	vld.idx.msk [tilespmem:v27+s13+$0x0], $0xffff  }
0xe4: {  	v33 =	vld.idx.msk [tilespmem:v29+s12+$0x0], $0xffff;
	v2 =	vadd.f32 v3, v2;
	v3 =	vmul.f32 v4, v28  }
0xe5: {  	v34 =	vor.u32 $0x11, v1;
	v4 =	vld.idx.msk [tilespmem:v29+s13+$0x0], $0xffff  }
0xe6: {  	v35 =	vld.idx.msk [tilespmem:v6+s12+$0x0], $0xffff;
	v2 =	vadd.f32 v3, v2;
	v3 =	vmul.f32 v5, v30  }
0xe7: {  	v5 =	vld.idx.msk [tilespmem:v6+s13+$0x0], $0xffff;
	v6 =	vor.u32 $0x12, v1  }
0xe8: {  	v36 =	vld.idx.msk [tilespmem:v32+s12+$0x0], $0xffff;
	v2 =	vadd.f32 v3, v2;
	v3 =	vmul.f32 v7, v31  }
0xe9: {  	v37 =	vor.u32 $0x13, v1;
	v7 =	vld.idx.msk [tilespmem:v32+s13+$0x0], $0xffff  }
0xea: {  	v38 =	vld.idx.msk [tilespmem:v34+s12+$0x0], $0xffff;
	v2 =	vadd.f32 v3, v2;
	v3 =	vmul.f32 v4, v33  }
0xeb: {  	v39 =	vor.u32 $0x14, v1;
	v4 =	vld.idx.msk [tilespmem:v34+s13+$0x0], $0xffff  }
0xec: {  	v40 =	vld.idx.msk [tilespmem:v6+s12+$0x0], $0xffff;
	v2 =	vadd.f32 v3, v2;
	v3 =	vmul.f32 v5, v35  }
0xed: {  	v5 =	vld.idx.msk [tilespmem:v6+s13+$0x0], $0xffff;
	v6 =	vor.u32 $0x15, v1  }
0xee: {  	v41 =	vld.idx.msk [tilespmem:v37+s12+$0x0], $0xffff;
	v2 =	vadd.f32 v3, v2;
	v3 =	vmul.f32 v7, v36  }
0xef: {  	v42 =	vor.u32 $0x16, v1;
	v7 =	vld.idx.msk [tilespmem:v37+s13+$0x0], $0xffff  }
0xf0: {  	v43 =	vld.idx.msk [tilespmem:v39+s12+$0x0], $0xffff;
	v2 =	vadd.f32 v3, v2;
	v3 =	vmul.f32 v4, v38  }
0xf1: {  	v44 =	vor.u32 $0x17, v1;
	v4 =	vld.idx.msk [tilespmem:v39+s13+$0x0], $0xffff  }
0xf2: {  	v45 =	vld.idx.msk [tilespmem:v6+s12+$0x0], $0xffff;
	v2 =	vadd.f32 v3, v2;
	v3 =	vmul.f32 v5, v40  }
0xf3: {  	v5 =	vld.idx.msk [tilespmem:v6+s13+$0x0], $0xffff;
	v6 =	vor.u32 $0x18, v1  }
0xf4: {  	v46 =	vld.idx.msk [tilespmem:v42+s12+$0x0], $0xffff;
	v2 =	vadd.f32 v3, v2;
	v3 =	vmul.f32 v7, v41  }
0xf5: {  	v47 =	vor.u32 $0x19, v1;
	v7 =	vld.idx.msk [tilespmem:v42+s13+$0x0], $0xffff  }
0xf6: {  	v48 =	vld.idx.msk [tilespmem:v44+s12+$0x0], $0xffff;
	v2 =	vadd.f32 v3, v2;
	v3 =	vmul.f32 v4, v43  }
0xf7: {  	v49 =	vor.u32 $0x1A, v1;
	v4 =	vld.idx.msk [tilespmem:v44+s13+$0x0], $0xffff  }
0xf8: {  	v50 =	vld.idx.msk [tilespmem:v6+s12+$0x0], $0xffff;
	v2 =	vadd.f32 v3, v2;
	v3 =	vmul.f32 v5, v45  }
0xf9: {  	v5 =	vld.idx.msk [tilespmem:v6+s13+$0x0], $0xffff;
	v6 =	vor.u32 $0x1B, v1  }
0xfa: {  	v51 =	vld.idx.msk [tilespmem:v47+s12+$0x0], $0xffff;
	v2 =	vadd.f32 v3, v2;
	v3 =	vmul.f32 v7, v46  }
0xfb: {  	v52 =	vor.u32 $0x1C, v1;
	v7 =	vld.idx.msk [tilespmem:v47+s13+$0x0], $0xffff  }
0xfc: {  	v53 =	vld.idx.msk [tilespmem:v49+s12+$0x0], $0xffff;
	v2 =	vadd.f32 v3, v2;
	v3 =	vmul.f32 v4, v48  }
0xfd: {  	v54 =	vor.u32 $0x1D, v1;
	v4 =	vld.idx.msk [tilespmem:v49+s13+$0x0], $0xffff  }
0xfe: {  	v55 =	vld.idx.msk [tilespmem:v6+s12+$0x0], $0xffff;
	v2 =	vadd.f32 v3, v2;
	v3 =	vmul.f32 v5, v50  }
0xff: {  	v5 =	vld.idx.msk [tilespmem:v6+s13+$0x0], $0xffff;
	v6 =	vor.u32 $0x1E, v1  }
0x100: {  	v56 =	vld.idx.msk [tilespmem:v52+s12+$0x0], $0xffff;
	v2 =	vadd.f32 v3, v2;
	v3 =	vmul.f32 v7, v51  }
0x101: {  	v57 =	vor.u32 $0x1F, v1;
	v7 =	vld.idx.msk [tilespmem:v52+s13+$0x0], $0xffff  }
0x102: {  	v58 =	vld.idx.msk [tilespmem:v54+s12+$0x0], $0xffff;
	v2 =	vadd.f32 v3, v2;
	v3 =	vmul.f32 v4, v53  }
0x103: {  	v59 =	vor.u32 $0x20, v1;
	v4 =	vld.idx.msk [tilespmem:v54+s13+$0x0], $0xffff  }
0x104: {  	v60 =	vld.idx.msk [tilespmem:v6+s12+$0x0], $0xffff;
	v2 =	vadd.f32 v3, v2;
	v3 =	vmul.f32 v5, v55  }
0x105: {  	v5 =	vld.idx.msk [tilespmem:v6+s13+$0x0], $0xffff;
	v6 =	vor.u32 $0x21, v1  }
0x106: {  	v61 =	vld.idx.msk [tilespmem:v57+s12+$0x0], $0xffff;
	v2 =	vadd.f32 v3, v2;
	v3 =	vmul.f32 v7, v56  }
0x107: {  	v62 =	vor.u32 $0x22, v1;
	v7 =	vld.idx.msk [tilespmem:v57+s13+$0x0], $0xffff  }
0x108: {  	v63 =	vld.idx.msk [tilespmem:v59+s12+$0x0], $0xffff;
	v2 =	vadd.f32 v3, v2;
	v3 =	vmul.f32 v4, v58  }
0x109: {  	v16 =	vor.u32 $0x23, v1;
	v4 =	vld.idx.msk [tilespmem:v59+s13+$0x0], $0xffff  }
0x10a: {  	v17 =	vld.idx.msk [tilespmem:v6+s12+$0x0], $0xffff;
	v2 =	vadd.f32 v3, v2;
	v3 =	vmul.f32 v5, v60  }
0x10b: {  	v5 =	vld.idx.msk [tilespmem:v6+s13+$0x0], $0xffff;
	v6 =	vor.u32 $0x24, v1  }
0x10c: {  	v18 =	vld.idx.msk [tilespmem:v62+s12+$0x0], $0xffff;
	v2 =	vadd.f32 v3, v2;
	v3 =	vmul.f32 v7, v61  }
0x10d: {  	v19 =	vor.u32 $0x25, v1;
	v7 =	vld.idx.msk [tilespmem:v62+s13+$0x0], $0xffff  }
0x10e: {  	v20 =	vld.idx.msk [tilespmem:v16+s12+$0x0], $0xffff;
	v2 =	vadd.f32 v3, v2;
	v3 =	vmul.f32 v4, v63  }
0x10f: {  	v21 =	vor.u32 $0x26, v1;
	v4 =	vld.idx.msk [tilespmem:v16+s13+$0x0], $0xffff  }
0x110: {  	v22 =	vld.idx.msk [tilespmem:v6+s12+$0x0], $0xffff;
	v2 =	vadd.f32 v3, v2;
	v3 =	vmul.f32 v5, v17  }
0x111: {  	v5 =	vld.idx.msk [tilespmem:v6+s13+$0x0], $0xffff;
	v6 =	vor.u32 $0x27, v1  }
0x112: {  	v23 =	vld.idx.msk [tilespmem:v19+s12+$0x0], $0xffff;
	v2 =	vadd.f32 v3, v2;
	v3 =	vmul.f32 v7, v18  }
0x113: {  	v24 =	vor.u32 $0x28, v1;
	v7 =	vld.idx.msk [tilespmem:v19+s13+$0x0], $0xffff  }
0x114: {  	v25 =	vld.idx.msk [tilespmem:v21+s12+$0x0], $0xffff;
	v2 =	vadd.f32 v3, v2;
	v3 =	vmul.f32 v4, v20  }
0x115: {  	v26 =	vor.u32 $0x29, v1;
	v4 =	vld.idx.msk [tilespmem:v21+s13+$0x0], $0xffff  }
0x116: {  	v27 =	vld.idx.msk [tilespmem:v6+s12+$0x0], $0xffff;
	v2 =	vadd.f32 v3, v2;
	v3 =	vmul.f32 v5, v22  }
0x117: {  	v5 =	vld.idx.msk [tilespmem:v6+s13+$0x0], $0xffff;
	v6 =	vor.u32 $0x2A, v1  }
0x118: {  	v28 =	vld.idx.msk [tilespmem:v24+s12+$0x0], $0xffff;
	v2 =	vadd.f32 v3, v2;
	v3 =	vmul.f32 v7, v23  }
0x119: {  	v29 =	vor.u32 $0x2B, v1;
	v7 =	vld.idx.msk [tilespmem:v24+s13+$0x0], $0xffff  }
0x11a: {  	v30 =	vld.idx.msk [tilespmem:v26+s12+$0x0], $0xffff;
	v2 =	vadd.f32 v3, v2;
	v3 =	vmul.f32 v4, v25  }
0x11b: {  	v31 =	vor.u32 $0x2C, v1;
	v4 =	vld.idx.msk [tilespmem:v26+s13+$0x0], $0xffff  }
0x11c: {  	v32 =	vld.idx.msk [tilespmem:v6+s12+$0x0], $0xffff;
	v2 =	vadd.f32 v3, v2;
	v3 =	vmul.f32 v5, v27  }
0x11d: {  	v5 =	vld.idx.msk [tilespmem:v6+s13+$0x0], $0xffff;
	v6 =	vor.u32 $0x2D, v1  }
0x11e: {  	v33 =	vld.idx.msk [tilespmem:v29+s12+$0x0], $0xffff;
	v2 =	vadd.f32 v3, v2;
	v3 =	vmul.f32 v7, v28  }
0x11f: {  	v34 =	vor.u32 $0x2E, v1;
	v7 =	vld.idx.msk [tilespmem:v29+s13+$0x0], $0xffff  }
0x120: {  	v35 =	vld.idx.msk [tilespmem:v31+s12+$0x0], $0xffff;
	v2 =	vadd.f32 v3, v2;
	v3 =	vmul.f32 v4, v30  }
0x121: {  	v36 =	vor.u32 $0x2F, v1;
	v4 =	vld.idx.msk [tilespmem:v31+s13+$0x0], $0xffff  }
0x122: {  	v37 =	vld.idx.msk [tilespmem:v6+s12+$0x0], $0xffff;
	v2 =	vadd.f32 v3, v2;
	v3 =	vmul.f32 v5, v32  }
0x123: {  	v5 =	vld.idx.msk [tilespmem:v6+s13+$0x0], $0xffff;
	v6 =	vor.u32 $0x30, v1  }
0x124: {  	v38 =	vld.idx.msk [tilespmem:v34+s12+$0x0], $0xffff;
	v2 =	vadd.f32 v3, v2;
	v3 =	vmul.f32 v7, v33  }
0x125: {  	v39 =	vor.u32 $0x31, v1;
	v7 =	vld.idx.msk [tilespmem:v34+s13+$0x0], $0xffff  }
0x126: {  	v40 =	vld.idx.msk [tilespmem:v36+s12+$0x0], $0xffff;
	v2 =	vadd.f32 v3, v2;
	v3 =	vmul.f32 v4, v35  }
0x127: {  	v41 =	vor.u32 $0x32, v1;
	v4 =	vld.idx.msk [tilespmem:v36+s13+$0x0], $0xffff  }
0x128: {  	v42 =	vld.idx.msk [tilespmem:v6+s12+$0x0], $0xffff;
	v2 =	vadd.f32 v3, v2;
	v3 =	vmul.f32 v5, v37  }
0x129: {  	v5 =	vld.idx.msk [tilespmem:v6+s13+$0x0], $0xffff;
	v6 =	vor.u32 $0x33, v1  }
0x12a: {  	v43 =	vld.idx.msk [tilespmem:v39+s12+$0x0], $0xffff;
	v2 =	vadd.f32 v3, v2;
	v3 =	vmul.f32 v7, v38  }
0x12b: {  	v44 =	vor.u32 $0x34, v1;
	v7 =	vld.idx.msk [tilespmem:v39+s13+$0x0], $0xffff  }
0x12c: {  	v45 =	vld.idx.msk [tilespmem:v41+s12+$0x0], $0xffff;
	v2 =	vadd.f32 v3, v2;
	v3 =	vmul.f32 v4, v40  }
0x12d: {  	v46 =	vor.u32 $0x35, v1;
	v4 =	vld.idx.msk [tilespmem:v41+s13+$0x0], $0xffff  }
0x12e: {  	v47 =	vld.idx.msk [tilespmem:v6+s12+$0x0], $0xffff;
	v2 =	vadd.f32 v3, v2;
	v3 =	vmul.f32 v5, v42  }
0x12f: {  	v5 =	vld.idx.msk [tilespmem:v6+s13+$0x0], $0xffff;
	v6 =	vor.u32 $0x36, v1  }
0x130: {  	v48 =	vld.idx.msk [tilespmem:v44+s12+$0x0], $0xffff;
	v2 =	vadd.f32 v3, v2;
	v3 =	vmul.f32 v7, v43  }
0x131: {  	v49 =	vor.u32 $0x37, v1;
	v7 =	vld.idx.msk [tilespmem:v44+s13+$0x0], $0xffff  }
0x132: {  	v50 =	vld.idx.msk [tilespmem:v46+s12+$0x0], $0xffff;
	v2 =	vadd.f32 v3, v2;
	v3 =	vmul.f32 v4, v45  }
0x133: {  	v51 =	vor.u32 $0x38, v1;
	v4 =	vld.idx.msk [tilespmem:v46+s13+$0x0], $0xffff  }
0x134: {  	v52 =	vld.idx.msk [tilespmem:v6+s12+$0x0], $0xffff;
	v2 =	vadd.f32 v3, v2;
	v3 =	vmul.f32 v5, v47  }
0x135: {  	v5 =	vld.idx.msk [tilespmem:v6+s13+$0x0], $0xffff;
	v6 =	vor.u32 $0x39, v1  }
0x136: {  	v53 =	vld.idx.msk [tilespmem:v49+s12+$0x0], $0xffff;
	v2 =	vadd.f32 v3, v2;
	v3 =	vmul.f32 v7, v48  }
0x137: {  	v54 =	vor.u32 $0x3A, v1;
	v7 =	vld.idx.msk [tilespmem:v49+s13+$0x0], $0xffff  }
0x138: {  	v55 =	vld.idx.msk [tilespmem:v51+s12+$0x0], $0xffff;
	v2 =	vadd.f32 v3, v2;
	v3 =	vmul.f32 v4, v50  }
0x139: {  	v56 =	vor.u32 $0x3B, v1;
	v4 =	vld.idx.msk [tilespmem:v51+s13+$0x0], $0xffff  }
0x13a: {  	v57 =	vld.idx.msk [tilespmem:v6+s12+$0x0], $0xffff;
	v2 =	vadd.f32 v3, v2;
	v3 =	vmul.f32 v5, v52  }
0x13b: {  	v5 =	vld.idx.msk [tilespmem:v6+s13+$0x0], $0xffff;
	v6 =	vor.u32 $0x3C, v1  }
0x13c: {  	v58 =	vld.idx.msk [tilespmem:v54+s12+$0x0], $0xffff;
	v2 =	vadd.f32 v3, v2;
	v3 =	vmul.f32 v7, v53  }
0x13d: {  	v7 =	vld.idx.msk [tilespmem:v54+s13+$0x0], $0xffff  }
0x13e: {  	v60 =	vld.idx.msk [tilespmem:v56+s12+$0x0], $0xffff;
	v2 =	vadd.f32 v3, v2;
	v3 =	vmul.f32 v4, v55  }
0x13f: {  	v59 =	vor.u32 $0x3D, v1;
	v4 =	vld.idx.msk [tilespmem:v56+s13+$0x0], $0xffff  }
0x140: {  	v62 =	vld.idx.msk [tilespmem:v6+s12+$0x0], $0xffff;
	v2 =	vadd.f32 v3, v2;
	v3 =	vmul.f32 v5, v57  }
0x141: {  	v61 =	vor.u32 $0x3E, v1;
	v5 =	vld.idx.msk [tilespmem:v6+s13+$0x0], $0xffff  }
0x142: {  	v2 =	vadd.f32 v3, v2;
	v3 =	vmul.f32 v7, v58  }
0x143: {  	v1 =	vor.u32 $0x3F, v1  }
0x144: {  	v6 =	vld.idx.msk [tilespmem:v59+s12+$0x0], $0xffff;
	v2 =	vadd.f32 v3, v2;
	v3 =	vmul.f32 v4, v60  }
0x145: {  	v7 =	vld.idx.msk [tilespmem:v59+s13+$0x0], $0xffff  }
0x146: {  	v63 =	vld.idx.msk [tilespmem:v61+s12+$0x0], $0xffff;
	v2 =	vadd.f32 v3, v2;
	v3 =	vmul.f32 v5, v62  }
0x147: {  	v9 =	vld.idx.msk [tilespmem:v61+s13+$0x0], $0xffff  }
0x148: {  	v4 =	vadd.f32 v3, v2;
	v2 =	vld.idx.msk [tilespmem:v1+s12+$0x0], $0xffff  }
0x149: {  	v3 =	vld.idx.msk [tilespmem:v1+s13+$0x0], $0xffff  }
0x14a: {  	v5 =	vmul.f32 v7, v6  }
0x14b: {  	s29 =	simm.s32 $0x20  }
0x14c: {  	v6 =	vmov s29;
	v4 =	vadd.f32 v5, v4;
	v5 =	vmul.f32 v9, v63  }
0x14d: {  	s30 =	simm.s32 $0x30;
	s29 =	simm.s32 $0x10400;
	v1 =	vshll.u32 v6, $0x6  }
.LBB2_2:
0x14e: {  	p0 =	sne.s32 s30, $0x1F0;
	v1 =	vor.u32 v0, v1;
	v4 =	vadd.f32 v5, v4;
	v2 =	vmul.f32 v3, v2;
	_ =	sdelay $0x1  }
0x14f: {  	v3 =	vor.u32 $0x1, v1;
	v2 =	vadd.f32 v2, v4  }
0x150: {  	s29 =	sadd.s32 $0x10, s29  }
0x151: {  	v4 =	vor.u32 $0x2, v1;
	[tilespmem:s29+$0x0] =	vst v2  }
0x152: {  	v2 =	vld.idx.msk [tilespmem:v1+s13+$0x0], $0xffff  }
0x153: {  	v6 =	vor.u32 $0x3, v1;
	v5 =	vld.idx.msk [tilespmem:v1+s12+$0x0], $0xffff  }
0x154: {  	v7 =	vld.idx.msk [tilespmem:v3+s12+$0x0], $0xffff  }
0x155: {  	v8 =	vor.u32 $0x4, v1;
	v3 =	vld.idx.msk [tilespmem:v3+s13+$0x0], $0xffff  }
0x156: {  	v9 =	vld.idx.msk [tilespmem:v4+s12+$0x0], $0xffff  }
0x157: {  	v10 =	vor.u32 $0x5, v1;
	v4 =	vld.idx.msk [tilespmem:v4+s13+$0x0], $0xffff  }
0x158: {  	v11 =	vld.idx.msk [tilespmem:v6+s12+$0x0], $0xffff  }
0x159: {  	v2 =	vmul.f32 v2, v5;
	v5 =	vld.idx.msk [tilespmem:v6+s13+$0x0], $0xffff;
	v6 =	vor.u32 $0x6, v1  }
0x15a: {  	v12 =	vld.idx.msk [tilespmem:v8+s12+$0x0], $0xffff  }
0x15b: {  	v2 =	vadd.f32 $0.0e+00, v2;
	v3 =	vmul.f32 v3, v7;
	v7 =	vld.idx.msk [tilespmem:v8+s13+$0x0], $0xffff;
	v8 =	vor.u32 $0x7, v1  }
0x15c: {  	v13 =	vld.idx.msk [tilespmem:v10+s12+$0x0], $0xffff  }
0x15d: {  	v2 =	vadd.f32 v3, v2;
	v3 =	vmul.f32 v4, v9;
	v9 =	vor.u32 $0x8, v1;
	v4 =	vld.idx.msk [tilespmem:v10+s13+$0x0], $0xffff  }
0x15e: {  	v10 =	vld.idx.msk [tilespmem:v6+s12+$0x0], $0xffff  }
0x15f: {  	v2 =	vadd.f32 v3, v2;
	v3 =	vmul.f32 v5, v11;
	v5 =	vld.idx.msk [tilespmem:v6+s13+$0x0], $0xffff;
	v6 =	vor.u32 $0x9, v1  }
0x160: {  	v11 =	vld.idx.msk [tilespmem:v8+s12+$0x0], $0xffff  }
0x161: {  	v2 =	vadd.f32 v3, v2;
	v3 =	vmul.f32 v7, v12;
	v7 =	vld.idx.msk [tilespmem:v8+s13+$0x0], $0xffff;
	v8 =	vor.u32 $0xA, v1  }
0x162: {  	v12 =	vld.idx.msk [tilespmem:v9+s12+$0x0], $0xffff  }
0x163: {  	v2 =	vadd.f32 v3, v2;
	v3 =	vmul.f32 v4, v13;
	v4 =	vld.idx.msk [tilespmem:v9+s13+$0x0], $0xffff;
	v9 =	vor.u32 $0xB, v1  }
0x164: {  	v13 =	vld.idx.msk [tilespmem:v6+s12+$0x0], $0xffff  }
0x165: {  	v2 =	vadd.f32 v3, v2;
	v3 =	vmul.f32 v5, v10;
	v5 =	vld.idx.msk [tilespmem:v6+s13+$0x0], $0xffff;
	v6 =	vor.u32 $0xC, v1  }
0x166: {  	v10 =	vld.idx.msk [tilespmem:v8+s12+$0x0], $0xffff  }
0x167: {  	v2 =	vadd.f32 v3, v2;
	v3 =	vmul.f32 v7, v11;
	v7 =	vld.idx.msk [tilespmem:v8+s13+$0x0], $0xffff;
	v8 =	vor.u32 $0xD, v1  }
0x168: {  	v11 =	vld.idx.msk [tilespmem:v9+s12+$0x0], $0xffff  }
0x169: {  	v2 =	vadd.f32 v3, v2;
	v3 =	vmul.f32 v4, v12;
	v4 =	vld.idx.msk [tilespmem:v9+s13+$0x0], $0xffff;
	v9 =	vor.u32 $0xE, v1  }
0x16a: {  	v12 =	vld.idx.msk [tilespmem:v6+s12+$0x0], $0xffff  }
0x16b: {  	v2 =	vadd.f32 v3, v2;
	v3 =	vmul.f32 v5, v13;
	v5 =	vld.idx.msk [tilespmem:v6+s13+$0x0], $0xffff;
	v6 =	vor.u32 $0xF, v1  }
0x16c: {  	v13 =	vld.idx.msk [tilespmem:v8+s12+$0x0], $0xffff  }
0x16d: {  	v2 =	vadd.f32 v3, v2;
	v3 =	vmul.f32 v7, v10;
	v7 =	vld.idx.msk [tilespmem:v8+s13+$0x0], $0xffff;
	v8 =	vor.u32 $0x10, v1  }
0x16e: {  	v10 =	vld.idx.msk [tilespmem:v9+s12+$0x0], $0xffff  }
0x16f: {  	v2 =	vadd.f32 v3, v2;
	v3 =	vmul.f32 v4, v11;
	v4 =	vld.idx.msk [tilespmem:v9+s13+$0x0], $0xffff;
	v9 =	vor.u32 $0x11, v1  }
0x170: {  	v11 =	vld.idx.msk [tilespmem:v6+s12+$0x0], $0xffff  }
0x171: {  	v2 =	vadd.f32 v3, v2;
	v3 =	vmul.f32 v5, v12;
	v5 =	vld.idx.msk [tilespmem:v6+s13+$0x0], $0xffff;
	v6 =	vor.u32 $0x12, v1  }
0x172: {  	v12 =	vld.idx.msk [tilespmem:v8+s12+$0x0], $0xffff  }
0x173: {  	v2 =	vadd.f32 v3, v2;
	v3 =	vmul.f32 v7, v13;
	v7 =	vld.idx.msk [tilespmem:v8+s13+$0x0], $0xffff;
	v8 =	vor.u32 $0x13, v1  }
0x174: {  	v13 =	vld.idx.msk [tilespmem:v9+s12+$0x0], $0xffff  }
0x175: {  	v2 =	vadd.f32 v3, v2;
	v3 =	vmul.f32 v4, v10;
	v4 =	vld.idx.msk [tilespmem:v9+s13+$0x0], $0xffff;
	v9 =	vor.u32 $0x14, v1  }
0x176: {  	v10 =	vld.idx.msk [tilespmem:v6+s12+$0x0], $0xffff  }
0x177: {  	v2 =	vadd.f32 v3, v2;
	v3 =	vmul.f32 v5, v11;
	v5 =	vld.idx.msk [tilespmem:v6+s13+$0x0], $0xffff;
	v6 =	vor.u32 $0x15, v1  }
0x178: {  	v11 =	vld.idx.msk [tilespmem:v8+s12+$0x0], $0xffff  }
0x179: {  	v2 =	vadd.f32 v3, v2;
	v3 =	vmul.f32 v7, v12;
	v7 =	vld.idx.msk [tilespmem:v8+s13+$0x0], $0xffff;
	v8 =	vor.u32 $0x16, v1  }
0x17a: {  	v12 =	vld.idx.msk [tilespmem:v9+s12+$0x0], $0xffff  }
0x17b: {  	v2 =	vadd.f32 v3, v2;
	v3 =	vmul.f32 v4, v13;
	v4 =	vld.idx.msk [tilespmem:v9+s13+$0x0], $0xffff;
	v9 =	vor.u32 $0x17, v1  }
0x17c: {  	v13 =	vld.idx.msk [tilespmem:v6+s12+$0x0], $0xffff  }
0x17d: {  	v2 =	vadd.f32 v3, v2;
	v3 =	vmul.f32 v5, v10;
	v5 =	vld.idx.msk [tilespmem:v6+s13+$0x0], $0xffff;
	v6 =	vor.u32 $0x18, v1  }
0x17e: {  	v10 =	vld.idx.msk [tilespmem:v8+s12+$0x0], $0xffff  }
0x17f: {  	v2 =	vadd.f32 v3, v2;
	v3 =	vmul.f32 v7, v11;
	v7 =	vld.idx.msk [tilespmem:v8+s13+$0x0], $0xffff;
	v8 =	vor.u32 $0x19, v1  }
0x180: {  	v11 =	vld.idx.msk [tilespmem:v9+s12+$0x0], $0xffff  }
0x181: {  	v2 =	vadd.f32 v3, v2;
	v3 =	vmul.f32 v4, v12;
	v4 =	vld.idx.msk [tilespmem:v9+s13+$0x0], $0xffff;
	v9 =	vor.u32 $0x1A, v1  }
0x182: {  	v12 =	vld.idx.msk [tilespmem:v6+s12+$0x0], $0xffff  }
0x183: {  	v2 =	vadd.f32 v3, v2;
	v3 =	vmul.f32 v5, v13;
	v5 =	vld.idx.msk [tilespmem:v6+s13+$0x0], $0xffff;
	v6 =	vor.u32 $0x1B, v1  }
0x184: {  	v13 =	vld.idx.msk [tilespmem:v8+s12+$0x0], $0xffff  }
0x185: {  	v2 =	vadd.f32 v3, v2;
	v3 =	vmul.f32 v7, v10;
	v7 =	vld.idx.msk [tilespmem:v8+s13+$0x0], $0xffff;
	v8 =	vor.u32 $0x1C, v1  }
0x186: {  	v10 =	vld.idx.msk [tilespmem:v9+s12+$0x0], $0xffff  }
0x187: {  	v2 =	vadd.f32 v3, v2;
	v3 =	vmul.f32 v4, v11;
	v4 =	vld.idx.msk [tilespmem:v9+s13+$0x0], $0xffff;
	v9 =	vor.u32 $0x1D, v1  }
0x188: {  	v11 =	vld.idx.msk [tilespmem:v6+s12+$0x0], $0xffff  }
0x189: {  	v2 =	vadd.f32 v3, v2;
	v3 =	vmul.f32 v5, v12;
	v5 =	vld.idx.msk [tilespmem:v6+s13+$0x0], $0xffff;
	v6 =	vor.u32 $0x1E, v1  }
0x18a: {  	v12 =	vld.idx.msk [tilespmem:v8+s12+$0x0], $0xffff  }
0x18b: {  	v2 =	vadd.f32 v3, v2;
	v3 =	vmul.f32 v7, v13;
	v7 =	vld.idx.msk [tilespmem:v8+s13+$0x0], $0xffff;
	v8 =	vor.u32 $0x1F, v1  }
0x18c: {  	v13 =	vld.idx.msk [tilespmem:v9+s12+$0x0], $0xffff  }
0x18d: {  	v2 =	vadd.f32 v3, v2;
	v3 =	vmul.f32 v4, v10;
	v4 =	vld.idx.msk [tilespmem:v9+s13+$0x0], $0xffff;
	v9 =	vor.u32 $0x20, v1  }
0x18e: {  	v10 =	vld.idx.msk [tilespmem:v6+s12+$0x0], $0xffff  }
0x18f: {  	v2 =	vadd.f32 v3, v2;
	v3 =	vmul.f32 v5, v11;
	v5 =	vld.idx.msk [tilespmem:v6+s13+$0x0], $0xffff;
	v6 =	vor.u32 $0x21, v1  }
0x190: {  	v11 =	vld.idx.msk [tilespmem:v8+s12+$0x0], $0xffff  }
0x191: {  	v2 =	vadd.f32 v3, v2;
	v3 =	vmul.f32 v7, v12;
	v7 =	vld.idx.msk [tilespmem:v8+s13+$0x0], $0xffff;
	v8 =	vor.u32 $0x22, v1  }
0x192: {  	v12 =	vld.idx.msk [tilespmem:v9+s12+$0x0], $0xffff  }
0x193: {  	v2 =	vadd.f32 v3, v2;
	v3 =	vmul.f32 v4, v13;
	v4 =	vld.idx.msk [tilespmem:v9+s13+$0x0], $0xffff;
	v9 =	vor.u32 $0x23, v1  }
0x194: {  	v13 =	vld.idx.msk [tilespmem:v6+s12+$0x0], $0xffff  }
0x195: {  	v2 =	vadd.f32 v3, v2;
	v3 =	vmul.f32 v5, v10;
	v5 =	vld.idx.msk [tilespmem:v6+s13+$0x0], $0xffff;
	v6 =	vor.u32 $0x24, v1  }
0x196: {  	v10 =	vld.idx.msk [tilespmem:v8+s12+$0x0], $0xffff  }
0x197: {  	v2 =	vadd.f32 v3, v2;
	v3 =	vmul.f32 v7, v11;
	v7 =	vld.idx.msk [tilespmem:v8+s13+$0x0], $0xffff;
	v8 =	vor.u32 $0x25, v1  }
0x198: {  	v11 =	vld.idx.msk [tilespmem:v9+s12+$0x0], $0xffff  }
0x199: {  	v2 =	vadd.f32 v3, v2;
	v3 =	vmul.f32 v4, v12;
	v4 =	vld.idx.msk [tilespmem:v9+s13+$0x0], $0xffff;
	v9 =	vor.u32 $0x26, v1  }
0x19a: {  	v12 =	vld.idx.msk [tilespmem:v6+s12+$0x0], $0xffff  }
0x19b: {  	v2 =	vadd.f32 v3, v2;
	v3 =	vmul.f32 v5, v13;
	v5 =	vld.idx.msk [tilespmem:v6+s13+$0x0], $0xffff;
	v6 =	vor.u32 $0x27, v1  }
0x19c: {  	v13 =	vld.idx.msk [tilespmem:v8+s12+$0x0], $0xffff  }
0x19d: {  	v2 =	vadd.f32 v3, v2;
	v3 =	vmul.f32 v7, v10;
	v7 =	vld.idx.msk [tilespmem:v8+s13+$0x0], $0xffff;
	v8 =	vor.u32 $0x28, v1  }
0x19e: {  	v10 =	vld.idx.msk [tilespmem:v9+s12+$0x0], $0xffff  }
0x19f: {  	v2 =	vadd.f32 v3, v2;
	v3 =	vmul.f32 v4, v11;
	v4 =	vld.idx.msk [tilespmem:v9+s13+$0x0], $0xffff;
	v9 =	vor.u32 $0x29, v1  }
0x1a0: {  	v11 =	vld.idx.msk [tilespmem:v6+s12+$0x0], $0xffff  }
0x1a1: {  	v2 =	vadd.f32 v3, v2;
	v3 =	vmul.f32 v5, v12;
	v5 =	vld.idx.msk [tilespmem:v6+s13+$0x0], $0xffff;
	v6 =	vor.u32 $0x2A, v1  }
0x1a2: {  	v12 =	vld.idx.msk [tilespmem:v8+s12+$0x0], $0xffff  }
0x1a3: {  	v2 =	vadd.f32 v3, v2;
	v3 =	vmul.f32 v7, v13;
	v7 =	vld.idx.msk [tilespmem:v8+s13+$0x0], $0xffff;
	v8 =	vor.u32 $0x2B, v1  }
0x1a4: {  	v13 =	vld.idx.msk [tilespmem:v9+s12+$0x0], $0xffff  }
0x1a5: {  	v2 =	vadd.f32 v3, v2;
	v3 =	vmul.f32 v4, v10;
	v4 =	vld.idx.msk [tilespmem:v9+s13+$0x0], $0xffff;
	v9 =	vor.u32 $0x2C, v1  }
0x1a6: {  	v10 =	vld.idx.msk [tilespmem:v6+s12+$0x0], $0xffff  }
0x1a7: {  	v2 =	vadd.f32 v3, v2;
	v3 =	vmul.f32 v5, v11;
	v5 =	vld.idx.msk [tilespmem:v6+s13+$0x0], $0xffff;
	v6 =	vor.u32 $0x2D, v1  }
0x1a8: {  	v11 =	vld.idx.msk [tilespmem:v8+s12+$0x0], $0xffff  }
0x1a9: {  	v2 =	vadd.f32 v3, v2;
	v3 =	vmul.f32 v7, v12;
	v7 =	vld.idx.msk [tilespmem:v8+s13+$0x0], $0xffff;
	v8 =	vor.u32 $0x2E, v1  }
0x1aa: {  	v12 =	vld.idx.msk [tilespmem:v9+s12+$0x0], $0xffff  }
0x1ab: {  	v2 =	vadd.f32 v3, v2;
	v3 =	vmul.f32 v4, v13;
	v4 =	vld.idx.msk [tilespmem:v9+s13+$0x0], $0xffff;
	v9 =	vor.u32 $0x2F, v1  }
0x1ac: {  	v13 =	vld.idx.msk [tilespmem:v6+s12+$0x0], $0xffff  }
0x1ad: {  	v2 =	vadd.f32 v3, v2;
	v3 =	vmul.f32 v5, v10;
	v5 =	vld.idx.msk [tilespmem:v6+s13+$0x0], $0xffff;
	v6 =	vor.u32 $0x30, v1  }
0x1ae: {  	v10 =	vld.idx.msk [tilespmem:v8+s12+$0x0], $0xffff  }
0x1af: {  	v2 =	vadd.f32 v3, v2;
	v3 =	vmul.f32 v7, v11;
	v7 =	vld.idx.msk [tilespmem:v8+s13+$0x0], $0xffff;
	v8 =	vor.u32 $0x31, v1  }
0x1b0: {  	v11 =	vld.idx.msk [tilespmem:v9+s12+$0x0], $0xffff  }
0x1b1: {  	v2 =	vadd.f32 v3, v2;
	v3 =	vmul.f32 v4, v12;
	v4 =	vld.idx.msk [tilespmem:v9+s13+$0x0], $0xffff;
	v9 =	vor.u32 $0x32, v1  }
0x1b2: {  	v12 =	vld.idx.msk [tilespmem:v6+s12+$0x0], $0xffff  }
0x1b3: {  	v2 =	vadd.f32 v3, v2;
	v3 =	vmul.f32 v5, v13;
	v5 =	vld.idx.msk [tilespmem:v6+s13+$0x0], $0xffff;
	v6 =	vor.u32 $0x33, v1  }
0x1b4: {  	v13 =	vld.idx.msk [tilespmem:v8+s12+$0x0], $0xffff  }
0x1b5: {  	v2 =	vadd.f32 v3, v2;
	v3 =	vmul.f32 v7, v10;
	v7 =	vld.idx.msk [tilespmem:v8+s13+$0x0], $0xffff;
	v8 =	vor.u32 $0x34, v1  }
0x1b6: {  	v10 =	vld.idx.msk [tilespmem:v9+s12+$0x0], $0xffff  }
0x1b7: {  	v2 =	vadd.f32 v3, v2;
	v3 =	vmul.f32 v4, v11;
	v4 =	vld.idx.msk [tilespmem:v9+s13+$0x0], $0xffff;
	v9 =	vor.u32 $0x35, v1  }
0x1b8: {  	v11 =	vld.idx.msk [tilespmem:v6+s12+$0x0], $0xffff  }
0x1b9: {  	v2 =	vadd.f32 v3, v2;
	v3 =	vmul.f32 v5, v12;
	v5 =	vld.idx.msk [tilespmem:v6+s13+$0x0], $0xffff;
	v6 =	vor.u32 $0x36, v1  }
0x1ba: {  	v12 =	vld.idx.msk [tilespmem:v8+s12+$0x0], $0xffff  }
0x1bb: {  	v2 =	vadd.f32 v3, v2;
	v3 =	vmul.f32 v7, v13;
	v7 =	vld.idx.msk [tilespmem:v8+s13+$0x0], $0xffff;
	v8 =	vor.u32 $0x37, v1  }
0x1bc: {  	v13 =	vld.idx.msk [tilespmem:v9+s12+$0x0], $0xffff  }
0x1bd: {  	v2 =	vadd.f32 v3, v2;
	v3 =	vmul.f32 v4, v10;
	v4 =	vld.idx.msk [tilespmem:v9+s13+$0x0], $0xffff;
	v9 =	vor.u32 $0x38, v1  }
0x1be: {  	v10 =	vld.idx.msk [tilespmem:v6+s12+$0x0], $0xffff  }
0x1bf: {  	v2 =	vadd.f32 v3, v2;
	v3 =	vmul.f32 v5, v11;
	v5 =	vld.idx.msk [tilespmem:v6+s13+$0x0], $0xffff;
	v6 =	vor.u32 $0x39, v1  }
0x1c0: {  	v11 =	vld.idx.msk [tilespmem:v8+s12+$0x0], $0xffff  }
0x1c1: {  	v2 =	vadd.f32 v3, v2;
	v3 =	vmul.f32 v7, v12;
	v7 =	vld.idx.msk [tilespmem:v8+s13+$0x0], $0xffff;
	v8 =	vor.u32 $0x3A, v1  }
0x1c2: {  	v12 =	vld.idx.msk [tilespmem:v9+s12+$0x0], $0xffff  }
0x1c3: {  	v2 =	vadd.f32 v3, v2;
	v3 =	vmul.f32 v4, v13;
	v4 =	vld.idx.msk [tilespmem:v9+s13+$0x0], $0xffff;
	v9 =	vor.u32 $0x3B, v1  }
0x1c4: {  	v13 =	vld.idx.msk [tilespmem:v6+s12+$0x0], $0xffff  }
0x1c5: {  	v2 =	vadd.f32 v3, v2;
	v3 =	vmul.f32 v5, v10;
	v5 =	vld.idx.msk [tilespmem:v6+s13+$0x0], $0xffff;
	v6 =	vor.u32 $0x3C, v1  }
0x1c6: {  	v10 =	vld.idx.msk [tilespmem:v8+s12+$0x0], $0xffff  }
0x1c7: {  	v2 =	vadd.f32 v3, v2;
	v3 =	vmul.f32 v7, v11;
	v7 =	vld.idx.msk [tilespmem:v8+s13+$0x0], $0xffff;
	v8 =	vor.u32 $0x3D, v1  }
0x1c8: {  	v11 =	vld.idx.msk [tilespmem:v9+s12+$0x0], $0xffff  }
0x1c9: {  	v2 =	vadd.f32 v3, v2;
	v3 =	vmul.f32 v4, v12;
	v4 =	vld.idx.msk [tilespmem:v9+s13+$0x0], $0xffff;
	v9 =	vor.u32 $0x3E, v1  }
0x1ca: {  	v12 =	vld.idx.msk [tilespmem:v6+s12+$0x0], $0xffff  }
0x1cb: {  	v1 =	vor.u32 $0x3F, v1;
	v2 =	vadd.f32 v3, v2;
	v3 =	vmul.f32 v5, v13;
	v5 =	vld.idx.msk [tilespmem:v6+s13+$0x0], $0xffff  }
0x1cc: {  	v6 =	vld.idx.msk [tilespmem:v8+s12+$0x0], $0xffff  }
0x1cd: {  	v2 =	vadd.f32 v3, v2;
	v3 =	vmul.f32 v7, v10;
	v7 =	vld.idx.msk [tilespmem:v8+s13+$0x0], $0xffff  }
0x1ce: {  	v8 =	vld.idx.msk [tilespmem:v9+s12+$0x0], $0xffff  }
0x1cf: {  	v3 =	vadd.f32 v3, v2;
	v4 =	vmul.f32 v4, v11;
	v9 =	vld.idx.msk [tilespmem:v9+s13+$0x0], $0xffff  }
0x1d0: {  	v2 =	vld.idx.msk [tilespmem:v1+s12+$0x0], $0xffff  }
0x1d1: {  	v4 =	vadd.f32 v4, v3;
	v5 =	vmul.f32 v5, v12;
	v3 =	vld.idx.msk [tilespmem:v1+s13+$0x0], $0xffff  }
.Ltmp0:
0x1d2: {  	(pc) =	sbr.rel @p0 .LBB2_2-.Ltmp0, $3  }
0x1d3: {  	v1 =	vadd.f32 v5, v4;
	v4 =	vmul.f32 v7, v6;
	_ =	sdelay $0x1  }
0x1d4: {  	v6 =	vmov s30;
	v4 =	vadd.f32 v4, v1;
	v5 =	vmul.f32 v9, v8  }
0x1d5: {  	s30 =	sadd.s32 $0x10, s30;
	v1 =	vshll.u32 v6, $0x6  }
0x1d6: {  	v1 =	vor.u32 v0, v1;
	v4 =	vadd.f32 v5, v4;
	v2 =	vmul.f32 v3, v2;
	_ =	sdelay $0x1  }
0x1d7: {  	v3 =	vor.u32 $0x1, v1;
	v2 =	vadd.f32 v2, v4  }
0x1d8: {  	s29 =	sadd.s32 $0x10, s29  }
0x1d9: {  	v31 =	vor.u32 $0x2, v1;
	[tilespmem:s29+$0x0] =	vst v2  }
0x1da: {  	v2 =	vld.idx.msk [tilespmem:v1+s13+$0x0], $0xffff  }
0x1db: {  	v6 =	vor.u32 $0x3, v1;
	v32 =	vld.idx.msk [tilespmem:v1+s12+$0x0], $0xffff  }
0x1dc: {  	v7 =	vld.idx.msk [tilespmem:v3+s12+$0x0], $0xffff  }
0x1dd: {  	v8 =	vor.u32 $0x4, v1;
	v3 =	vld.idx.msk [tilespmem:v3+s13+$0x0], $0xffff  }
0x1de: {  	v9 =	vld.idx.msk [tilespmem:v31+s12+$0x0], $0xffff  }
0x1df: {  	v10 =	vor.u32 $0x5, v1;
	v4 =	vld.idx.msk [tilespmem:v31+s13+$0x0], $0xffff  }
0x1e0: {  	v11 =	vld.idx.msk [tilespmem:v6+s12+$0x0], $0xffff;
	v2 =	vmul.f32 v2, v32  }
0x1e1: {  	v34 =	vor.u32 $0x6, v1;
	v33 =	vld.idx.msk [tilespmem:v6+s13+$0x0], $0xffff  }
0x1e2: {  	v12 =	vld.idx.msk [tilespmem:v8+s12+$0x0], $0xffff;
	v3 =	vmul.f32 v3, v7;
	v2 =	vadd.f32 $0.0e+00, v2  }
0x1e3: {  	v36 =	vor.u32 $0x7, v1;
	v35 =	vld.idx.msk [tilespmem:v8+s13+$0x0], $0xffff  }
0x1e4: {  	v13 =	vld.idx.msk [tilespmem:v10+s12+$0x0], $0xffff;
	v2 =	vadd.f32 v3, v2;
	v3 =	vmul.f32 v4, v9  }
0x1e5: {  	v38 =	vor.u32 $0x8, v1;
	v37 =	vld.idx.msk [tilespmem:v10+s13+$0x0], $0xffff  }
0x1e6: {  	v39 =	vld.idx.msk [tilespmem:v34+s12+$0x0], $0xffff;
	v2 =	vadd.f32 v3, v2;
	v3 =	vmul.f32 v33, v11  }
0x1e7: {  	v41 =	vor.u32 $0x9, v1;
	v40 =	vld.idx.msk [tilespmem:v34+s13+$0x0], $0xffff  }
0x1e8: {  	v42 =	vld.idx.msk [tilespmem:v36+s12+$0x0], $0xffff;
	v2 =	vadd.f32 v3, v2;
	v3 =	vmul.f32 v35, v12  }
0x1e9: {  	v44 =	vor.u32 $0xA, v1;
	v43 =	vld.idx.msk [tilespmem:v36+s13+$0x0], $0xffff  }
0x1ea: {  	v45 =	vld.idx.msk [tilespmem:v38+s12+$0x0], $0xffff;
	v2 =	vadd.f32 v3, v2;
	v3 =	vmul.f32 v37, v13  }
0x1eb: {  	v47 =	vor.u32 $0xB, v1;
	v46 =	vld.idx.msk [tilespmem:v38+s13+$0x0], $0xffff  }
0x1ec: {  	v48 =	vld.idx.msk [tilespmem:v41+s12+$0x0], $0xffff;
	v2 =	vadd.f32 v3, v2;
	v3 =	vmul.f32 v40, v39  }
0x1ed: {  	v50 =	vor.u32 $0xC, v1;
	v49 =	vld.idx.msk [tilespmem:v41+s13+$0x0], $0xffff  }
0x1ee: {  	v51 =	vld.idx.msk [tilespmem:v44+s12+$0x0], $0xffff;
	v2 =	vadd.f32 v3, v2;
	v3 =	vmul.f32 v43, v42  }
0x1ef: {  	v53 =	vor.u32 $0xD, v1;
	v52 =	vld.idx.msk [tilespmem:v44+s13+$0x0], $0xffff  }
0x1f0: {  	v54 =	vld.idx.msk [tilespmem:v47+s12+$0x0], $0xffff;
	v2 =	vadd.f32 v3, v2;
	v3 =	vmul.f32 v46, v45  }
0x1f1: {  	v56 =	vor.u32 $0xE, v1;
	v55 =	vld.idx.msk [tilespmem:v47+s13+$0x0], $0xffff  }
0x1f2: {  	v57 =	vld.idx.msk [tilespmem:v50+s12+$0x0], $0xffff;
	v2 =	vadd.f32 v3, v2;
	v3 =	vmul.f32 v49, v48  }
0x1f3: {  	v59 =	vor.u32 $0xF, v1;
	v58 =	vld.idx.msk [tilespmem:v50+s13+$0x0], $0xffff  }
0x1f4: {  	v60 =	vld.idx.msk [tilespmem:v53+s12+$0x0], $0xffff;
	v2 =	vadd.f32 v3, v2;
	v3 =	vmul.f32 v52, v51  }
0x1f5: {  	v62 =	vor.u32 $0x10, v1;
	v61 =	vld.idx.msk [tilespmem:v53+s13+$0x0], $0xffff  }
0x1f6: {  	v63 =	vld.idx.msk [tilespmem:v56+s12+$0x0], $0xffff;
	v2 =	vadd.f32 v3, v2;
	v3 =	vmul.f32 v55, v54  }
0x1f7: {  	v17 =	vor.u32 $0x11, v1;
	v16 =	vld.idx.msk [tilespmem:v56+s13+$0x0], $0xffff  }
0x1f8: {  	v18 =	vld.idx.msk [tilespmem:v59+s12+$0x0], $0xffff;
	v2 =	vadd.f32 v3, v2;
	v3 =	vmul.f32 v58, v57  }
0x1f9: {  	v20 =	vor.u32 $0x12, v1;
	v19 =	vld.idx.msk [tilespmem:v59+s13+$0x0], $0xffff  }
0x1fa: {  	v21 =	vld.idx.msk [tilespmem:v62+s12+$0x0], $0xffff;
	v2 =	vadd.f32 v3, v2;
	v3 =	vmul.f32 v61, v60  }
0x1fb: {  	v23 =	vor.u32 $0x13, v1;
	v22 =	vld.idx.msk [tilespmem:v62+s13+$0x0], $0xffff  }
0x1fc: {  	v24 =	vld.idx.msk [tilespmem:v17+s12+$0x0], $0xffff;
	v2 =	vadd.f32 v3, v2;
	v3 =	vmul.f32 v16, v63  }
0x1fd: {  	v26 =	vor.u32 $0x14, v1;
	v25 =	vld.idx.msk [tilespmem:v17+s13+$0x0], $0xffff  }
0x1fe: {  	v27 =	vld.idx.msk [tilespmem:v20+s12+$0x0], $0xffff;
	v2 =	vadd.f32 v3, v2;
	v3 =	vmul.f32 v19, v18  }
0x1ff: {  	v29 =	vor.u32 $0x15, v1;
	v28 =	vld.idx.msk [tilespmem:v20+s13+$0x0], $0xffff  }
0x200: {  	v30 =	vld.idx.msk [tilespmem:v23+s12+$0x0], $0xffff;
	v2 =	vadd.f32 v3, v2;
	v3 =	vmul.f32 v22, v21  }
0x201: {  	v31 =	vld.idx.msk [tilespmem:v23+s13+$0x0], $0xffff;
	v32 =	vor.u32 $0x16, v1  }
0x202: {  	v34 =	vld.idx.msk [tilespmem:v26+s13+$0x0], $0xffff;
	v2 =	vadd.f32 v3, v2;
	v3 =	vmul.f32 v25, v24  }
0x203: {  	v33 =	vld.idx.msk [tilespmem:v26+s12+$0x0], $0xffff;
	v35 =	vor.u32 $0x17, v1  }
0x204: {  	v36 =	vld.idx.msk [tilespmem:v29+s12+$0x0], $0xffff;
	v2 =	vadd.f32 v3, v2;
	v3 =	vmul.f32 v28, v27  }
0x205: {  	v38 =	vor.u32 $0x18, v1;
	v37 =	vld.idx.msk [tilespmem:v29+s13+$0x0], $0xffff  }
0x206: {  	v39 =	vld.idx.msk [tilespmem:v32+s12+$0x0], $0xffff;
	v2 =	vadd.f32 v3, v2;
	v3 =	vmul.f32 v31, v30  }
0x207: {  	v41 =	vor.u32 $0x19, v1;
	v40 =	vld.idx.msk [tilespmem:v32+s13+$0x0], $0xffff  }
0x208: {  	v42 =	vld.idx.msk [tilespmem:v35+s12+$0x0], $0xffff;
	v2 =	vadd.f32 v3, v2;
	v3 =	vmul.f32 v34, v33  }
0x209: {  	v44 =	vor.u32 $0x1A, v1;
	v43 =	vld.idx.msk [tilespmem:v35+s13+$0x0], $0xffff  }
0x20a: {  	v45 =	vld.idx.msk [tilespmem:v38+s12+$0x0], $0xffff;
	v2 =	vadd.f32 v3, v2;
	v3 =	vmul.f32 v37, v36  }
0x20b: {  	v47 =	vor.u32 $0x1B, v1;
	v46 =	vld.idx.msk [tilespmem:v38+s13+$0x0], $0xffff  }
0x20c: {  	v48 =	vld.idx.msk [tilespmem:v41+s12+$0x0], $0xffff;
	v2 =	vadd.f32 v3, v2;
	v3 =	vmul.f32 v40, v39  }
0x20d: {  	v50 =	vor.u32 $0x1C, v1;
	v49 =	vld.idx.msk [tilespmem:v41+s13+$0x0], $0xffff  }
0x20e: {  	v51 =	vld.idx.msk [tilespmem:v44+s12+$0x0], $0xffff;
	v2 =	vadd.f32 v3, v2;
	v3 =	vmul.f32 v43, v42  }
0x20f: {  	v53 =	vor.u32 $0x1D, v1;
	v52 =	vld.idx.msk [tilespmem:v44+s13+$0x0], $0xffff  }
0x210: {  	v54 =	vld.idx.msk [tilespmem:v47+s12+$0x0], $0xffff;
	v2 =	vadd.f32 v3, v2;
	v3 =	vmul.f32 v46, v45  }
0x211: {  	v56 =	vor.u32 $0x1E, v1;
	v55 =	vld.idx.msk [tilespmem:v47+s13+$0x0], $0xffff  }
0x212: {  	v57 =	vld.idx.msk [tilespmem:v50+s12+$0x0], $0xffff;
	v2 =	vadd.f32 v3, v2;
	v3 =	vmul.f32 v49, v48  }
0x213: {  	v59 =	vor.u32 $0x1F, v1;
	v58 =	vld.idx.msk [tilespmem:v50+s13+$0x0], $0xffff  }
0x214: {  	v60 =	vld.idx.msk [tilespmem:v53+s12+$0x0], $0xffff;
	v2 =	vadd.f32 v3, v2;
	v3 =	vmul.f32 v52, v51  }
0x215: {  	v62 =	vor.u32 $0x20, v1;
	v61 =	vld.idx.msk [tilespmem:v53+s13+$0x0], $0xffff  }
0x216: {  	v63 =	vld.idx.msk [tilespmem:v56+s12+$0x0], $0xffff;
	v2 =	vadd.f32 v3, v2;
	v3 =	vmul.f32 v55, v54  }
0x217: {  	v17 =	vor.u32 $0x21, v1;
	v16 =	vld.idx.msk [tilespmem:v56+s13+$0x0], $0xffff  }
0x218: {  	v18 =	vld.idx.msk [tilespmem:v59+s12+$0x0], $0xffff;
	v2 =	vadd.f32 v3, v2;
	v3 =	vmul.f32 v58, v57  }
0x219: {  	v20 =	vor.u32 $0x22, v1;
	v19 =	vld.idx.msk [tilespmem:v59+s13+$0x0], $0xffff  }
0x21a: {  	v21 =	vld.idx.msk [tilespmem:v62+s12+$0x0], $0xffff;
	v2 =	vadd.f32 v3, v2;
	v3 =	vmul.f32 v61, v60  }
0x21b: {  	v23 =	vor.u32 $0x23, v1;
	v22 =	vld.idx.msk [tilespmem:v62+s13+$0x0], $0xffff  }
0x21c: {  	v24 =	vld.idx.msk [tilespmem:v17+s12+$0x0], $0xffff;
	v2 =	vadd.f32 v3, v2;
	v3 =	vmul.f32 v16, v63  }
0x21d: {  	v26 =	vor.u32 $0x24, v1;
	v25 =	vld.idx.msk [tilespmem:v17+s13+$0x0], $0xffff  }
0x21e: {  	v27 =	vld.idx.msk [tilespmem:v20+s12+$0x0], $0xffff;
	v2 =	vadd.f32 v3, v2;
	v3 =	vmul.f32 v19, v18  }
0x21f: {  	v29 =	vor.u32 $0x25, v1;
	v28 =	vld.idx.msk [tilespmem:v20+s13+$0x0], $0xffff  }
0x220: {  	v30 =	vld.idx.msk [tilespmem:v23+s12+$0x0], $0xffff;
	v2 =	vadd.f32 v3, v2;
	v3 =	vmul.f32 v22, v21  }
0x221: {  	v32 =	vor.u32 $0x26, v1;
	v31 =	vld.idx.msk [tilespmem:v23+s13+$0x0], $0xffff  }
0x222: {  	v33 =	vld.idx.msk [tilespmem:v26+s12+$0x0], $0xffff;
	v2 =	vadd.f32 v3, v2;
	v3 =	vmul.f32 v25, v24  }
0x223: {  	v35 =	vor.u32 $0x27, v1;
	v34 =	vld.idx.msk [tilespmem:v26+s13+$0x0], $0xffff  }
0x224: {  	v36 =	vld.idx.msk [tilespmem:v29+s12+$0x0], $0xffff;
	v2 =	vadd.f32 v3, v2;
	v3 =	vmul.f32 v28, v27  }
0x225: {  	v38 =	vor.u32 $0x28, v1;
	v37 =	vld.idx.msk [tilespmem:v29+s13+$0x0], $0xffff  }
0x226: {  	v39 =	vld.idx.msk [tilespmem:v32+s12+$0x0], $0xffff;
	v2 =	vadd.f32 v3, v2;
	v3 =	vmul.f32 v31, v30  }
0x227: {  	v41 =	vor.u32 $0x29, v1;
	v40 =	vld.idx.msk [tilespmem:v32+s13+$0x0], $0xffff  }
0x228: {  	v42 =	vld.idx.msk [tilespmem:v35+s12+$0x0], $0xffff;
	v2 =	vadd.f32 v3, v2;
	v3 =	vmul.f32 v34, v33  }
0x229: {  	v44 =	vor.u32 $0x2A, v1;
	v43 =	vld.idx.msk [tilespmem:v35+s13+$0x0], $0xffff  }
0x22a: {  	v45 =	vld.idx.msk [tilespmem:v38+s12+$0x0], $0xffff;
	v2 =	vadd.f32 v3, v2;
	v3 =	vmul.f32 v37, v36  }
0x22b: {  	v47 =	vor.u32 $0x2B, v1;
	v46 =	vld.idx.msk [tilespmem:v38+s13+$0x0], $0xffff  }
0x22c: {  	v48 =	vld.idx.msk [tilespmem:v41+s12+$0x0], $0xffff;
	v2 =	vadd.f32 v3, v2;
	v3 =	vmul.f32 v40, v39  }
0x22d: {  	v50 =	vor.u32 $0x2C, v1;
	v49 =	vld.idx.msk [tilespmem:v41+s13+$0x0], $0xffff  }
0x22e: {  	v51 =	vld.idx.msk [tilespmem:v44+s12+$0x0], $0xffff;
	v2 =	vadd.f32 v3, v2;
	v3 =	vmul.f32 v43, v42  }
0x22f: {  	v53 =	vor.u32 $0x2D, v1;
	v52 =	vld.idx.msk [tilespmem:v44+s13+$0x0], $0xffff  }
0x230: {  	v54 =	vld.idx.msk [tilespmem:v47+s12+$0x0], $0xffff;
	v2 =	vadd.f32 v3, v2;
	v3 =	vmul.f32 v46, v45  }
0x231: {  	v56 =	vor.u32 $0x2E, v1;
	v55 =	vld.idx.msk [tilespmem:v47+s13+$0x0], $0xffff  }
0x232: {  	v57 =	vld.idx.msk [tilespmem:v50+s12+$0x0], $0xffff;
	v2 =	vadd.f32 v3, v2;
	v3 =	vmul.f32 v49, v48  }
0x233: {  	v59 =	vor.u32 $0x2F, v1;
	v58 =	vld.idx.msk [tilespmem:v50+s13+$0x0], $0xffff  }
0x234: {  	v60 =	vld.idx.msk [tilespmem:v53+s12+$0x0], $0xffff;
	v2 =	vadd.f32 v3, v2;
	v3 =	vmul.f32 v52, v51  }
0x235: {  	v62 =	vor.u32 $0x30, v1;
	v61 =	vld.idx.msk [tilespmem:v53+s13+$0x0], $0xffff  }
0x236: {  	v63 =	vld.idx.msk [tilespmem:v56+s12+$0x0], $0xffff;
	v2 =	vadd.f32 v3, v2;
	v3 =	vmul.f32 v55, v54  }
0x237: {  	v17 =	vor.u32 $0x31, v1;
	v16 =	vld.idx.msk [tilespmem:v56+s13+$0x0], $0xffff  }
0x238: {  	v18 =	vld.idx.msk [tilespmem:v59+s12+$0x0], $0xffff;
	v2 =	vadd.f32 v3, v2;
	v3 =	vmul.f32 v58, v57  }
0x239: {  	v20 =	vor.u32 $0x32, v1;
	v19 =	vld.idx.msk [tilespmem:v59+s13+$0x0], $0xffff  }
0x23a: {  	v21 =	vld.idx.msk [tilespmem:v62+s12+$0x0], $0xffff;
	v2 =	vadd.f32 v3, v2;
	v3 =	vmul.f32 v61, v60  }
0x23b: {  	v23 =	vor.u32 $0x33, v1;
	v22 =	vld.idx.msk [tilespmem:v62+s13+$0x0], $0xffff  }
0x23c: {  	v24 =	vld.idx.msk [tilespmem:v17+s12+$0x0], $0xffff;
	v2 =	vadd.f32 v3, v2;
	v3 =	vmul.f32 v16, v63  }
0x23d: {  	v26 =	vor.u32 $0x34, v1;
	v25 =	vld.idx.msk [tilespmem:v17+s13+$0x0], $0xffff  }
0x23e: {  	v27 =	vld.idx.msk [tilespmem:v20+s12+$0x0], $0xffff;
	v2 =	vadd.f32 v3, v2;
	v3 =	vmul.f32 v19, v18  }
0x23f: {  	v29 =	vor.u32 $0x35, v1;
	v28 =	vld.idx.msk [tilespmem:v20+s13+$0x0], $0xffff  }
0x240: {  	v30 =	vld.idx.msk [tilespmem:v23+s12+$0x0], $0xffff;
	v2 =	vadd.f32 v3, v2;
	v3 =	vmul.f32 v22, v21  }
0x241: {  	v32 =	vor.u32 $0x36, v1;
	v31 =	vld.idx.msk [tilespmem:v23+s13+$0x0], $0xffff  }
0x242: {  	v33 =	vld.idx.msk [tilespmem:v26+s12+$0x0], $0xffff;
	v2 =	vadd.f32 v3, v2;
	v3 =	vmul.f32 v25, v24  }
0x243: {  	v35 =	vor.u32 $0x37, v1;
	v34 =	vld.idx.msk [tilespmem:v26+s13+$0x0], $0xffff  }
0x244: {  	v36 =	vld.idx.msk [tilespmem:v29+s12+$0x0], $0xffff;
	v2 =	vadd.f32 v3, v2;
	v3 =	vmul.f32 v28, v27  }
0x245: {  	v38 =	vor.u32 $0x38, v1;
	v37 =	vld.idx.msk [tilespmem:v29+s13+$0x0], $0xffff  }
0x246: {  	v39 =	vld.idx.msk [tilespmem:v32+s12+$0x0], $0xffff;
	v2 =	vadd.f32 v3, v2;
	v3 =	vmul.f32 v31, v30  }
0x247: {  	v41 =	vor.u32 $0x39, v1;
	v40 =	vld.idx.msk [tilespmem:v32+s13+$0x0], $0xffff  }
0x248: {  	v42 =	vld.idx.msk [tilespmem:v35+s12+$0x0], $0xffff;
	v2 =	vadd.f32 v3, v2;
	v3 =	vmul.f32 v34, v33  }
0x249: {  	v44 =	vor.u32 $0x3A, v1;
	v43 =	vld.idx.msk [tilespmem:v35+s13+$0x0], $0xffff  }
0x24a: {  	v45 =	vld.idx.msk [tilespmem:v38+s12+$0x0], $0xffff;
	v2 =	vadd.f32 v3, v2;
	v3 =	vmul.f32 v37, v36  }
0x24b: {  	v47 =	vor.u32 $0x3B, v1;
	v46 =	vld.idx.msk [tilespmem:v38+s13+$0x0], $0xffff  }
0x24c: {  	v48 =	vld.idx.msk [tilespmem:v41+s12+$0x0], $0xffff;
	v2 =	vadd.f32 v3, v2;
	v3 =	vmul.f32 v40, v39  }
0x24d: {  	v50 =	vor.u32 $0x3C, v1;
	v49 =	vld.idx.msk [tilespmem:v41+s13+$0x0], $0xffff  }
0x24e: {  	v51 =	vld.idx.msk [tilespmem:v44+s12+$0x0], $0xffff;
	v2 =	vadd.f32 v3, v2;
	v3 =	vmul.f32 v43, v42  }
0x24f: {  	v53 =	vor.u32 $0x3D, v1;
	v52 =	vld.idx.msk [tilespmem:v44+s13+$0x0], $0xffff  }
0x250: {  	v54 =	vld.idx.msk [tilespmem:v47+s12+$0x0], $0xffff;
	v2 =	vadd.f32 v3, v2;
	v3 =	vmul.f32 v46, v45  }
0x251: {  	v56 =	vor.u32 $0x3E, v1;
	v55 =	vld.idx.msk [tilespmem:v47+s13+$0x0], $0xffff  }
0x252: {  	v57 =	vld.idx.msk [tilespmem:v50+s12+$0x0], $0xffff;
	v2 =	vadd.f32 v3, v2;
	v3 =	vmul.f32 v49, v48  }
0x253: {  	v1 =	vor.u32 $0x3F, v1;
	v58 =	vld.idx.msk [tilespmem:v50+s13+$0x0], $0xffff  }
0x254: {  	v59 =	vld.idx.msk [tilespmem:v53+s12+$0x0], $0xffff;
	v2 =	vadd.f32 v3, v2;
	v3 =	vmul.f32 v52, v51  }
0x255: {  	v60 =	vld.idx.msk [tilespmem:v53+s13+$0x0], $0xffff  }
0x256: {  	v62 =	vld.idx.msk [tilespmem:v56+s13+$0x0], $0xffff;
	v2 =	vadd.f32 v3, v2;
	v3 =	vmul.f32 v55, v54  }
0x257: {  	v61 =	vld.idx.msk [tilespmem:v56+s12+$0x0], $0xffff  }
0x258: {  	v63 =	vld.idx.msk [tilespmem:v1+s12+$0x0], $0xffff;
	v2 =	vadd.f32 v3, v2;
	v3 =	vmul.f32 v58, v57  }
0x259: {  	v1 =	vld.idx.msk [tilespmem:v1+s13+$0x0], $0xffff  }
0x25a: {  	v2 =	vadd.f32 v3, v2;
	v3 =	vmul.f32 v60, v59;
	_ =	sdelay $0x1  }
0x25b: {  	v2 =	vadd.f32 v3, v2;
	v3 =	vmul.f32 v62, v61;
	_ =	sdelay $0x1  }
0x25c: {  	v1 =	vmul.f32 v1, v63;
	v2 =	vadd.f32 v3, v2;
	_ =	sdelay $0x1  }
0x25d: {  	s28 =	sadd.s32 $0x1, s28;
	v1 =	vadd.f32 v1, v2  }
0x25e: {  	p0 =	sne.s32 s28, s8;
	s29 =	sadd.s32 $0x10, s29  }
.Ltmp1:
0x25f: {  	[tilespmem:s29+$0x0] =	vst v1;
	(pc) =	sbr.rel @p0 .LBB2_1-.Ltmp1, $4  }
0x260: {  	[hbm4b:s7+s1] =	stream.linear.scatter [tilespmem:s26], [sflag:$0x2], $0x200, $0x38;
	[tilespmem:$0x10600] =	vst v63  }
0x261: {  	_ =	swait.ge [sflag:s9], $0x200  }
0x262: {  	[sflag:s9] =	ssyncset.done $0x0  }
0x263: {  	[sflag:s9] =	ssyncadd.s32 $0xFFFFFE00  }
0x264: {  	_ =	sfence.sel $0x180000  }
0x265: {  	[bflag:$0x0] =	sbarrier.arrive $0xFFFF  }
0x266: {  	p0 =	sne.s32 s2, $0x0;
	_ =	strace $0x90000047  }
0x267: {  	s0 =	sadd.s32 @!p0 $0x100000, s0;
	[bflag:$0x2] =	sbarrier.arrive $0xFFFF  }
0x268: {  	[sflag:s0] =	ssyncadd.tile.s32 @!p0 $0x1;
	_ =	shalt  }
.Lfunc_end2:
_tile_overlayer_lowered:
.L_overlay_start_2:
0x269: {  	(tag) =	ssettag $0x2  }
0x26a: {  	s0 =	rddreg [dreg:$0x0];
	s2 =	stileid.u32  }
0x26b: {  	s1 =	rddreg [dreg:$0x1];
	p0 =	sne.s32 s2, $0x0  }
0x26c: {  	s3 =	rddreg [dreg:$0x2];
	[bflag:$0x3] =	sbarrier.arrive $0xFFFF;
	s2 =	simm.s32 @!p0 $0x1C02  }
0x26d: {  	[timem:s3], [sflag:s2] =	dma.local @!p0 [hbm:s0], s1  }
0x26e: {  	s0 =	simm.s32 @!p0 $0x2  }
0x26f: {  	_ =	swait.ge @!p0 [sflag:s0], s1  }
0x270: {  	s1 =	ssub.s32 @!p0 $0x0, s1;
	[sflag:s0] =	ssyncset.done @!p0 $0x0  }
0x271: {  	[sflag:s0] =	ssyncadd.s32 @!p0 s1  }
0x272: {  	[bflag:$0x3] =	sbarrier.arrive $0xFFFF  }
0x273: {  	_ =	shalt  }

</sc_bundles>
